<compile_context>
chip_gen: v7x
topology: tpu7x:2x2x1
jax: 0.10.2.dev20260603
libtpu: 0.0.44.dev20260713+nightly
codegen_flags: <defaults>
</compile_context>

<pallas_src>
import functools

import jax
import jax.numpy as jnp
from jax import lax
from jax.experimental import pallas as pl
from jax.experimental.pallas import tpu as pltpu
from jax.experimental.pallas import tpu_sc as plsc

NC, NS, L = 2, 16, 16
NW = NC * NS

ROWS_PER_CHUNK = 4
RING = 3
PREF_D = 2


def _sc_gather_loss(table, idx2, tgt2, n_rows, vocab):
    n_chunks = n_rows // ROWS_PER_CHUNK
    cpw = n_chunks // NW
    steps = vocab // L

    mesh = plsc.VectorSubcoreMesh(
        core_axis_name="c", subcore_axis_name="s",
        num_cores=NC, num_subcores=NS)

    @functools.partial(
        pl.kernel,
        out_type=(
            jax.ShapeDtypeStruct((n_rows, vocab), jnp.float32),
            jax.ShapeDtypeStruct((n_chunks, ROWS_PER_CHUNK + 1, L), jnp.float32),
        ),
        mesh=mesh,
        compiler_params=pltpu.CompilerParams(needs_layout_passes=False),
        scratch_types=(
            [pltpu.VMEM((cpw, ROWS_PER_CHUNK), jnp.int32),
             pltpu.VMEM((cpw * ROWS_PER_CHUNK,), jnp.int32),
             pltpu.VMEM((ROWS_PER_CHUNK + 1, L), jnp.float32)]
            + [pltpu.VMEM((ROWS_PER_CHUNK, vocab), jnp.float32)] * RING
            + [pltpu.SemaphoreType.DMA] * (2 * RING)
        ),
    )
    def body(table_hbm, idx_hbm, tgt_hbm, logits_hbm, parts_hbm, *scratch):
        idx_v, tgt_v, parts_v = scratch[:3]
        bufs = scratch[3:3 + RING]
        gsems = scratch[3 + RING:3 + 2 * RING]
        ssems = scratch[3 + 2 * RING:3 + 3 * RING]

        w = lax.axis_index("s") * NC + lax.axis_index("c")
        cbase = w * cpw

        pltpu.sync_copy(idx_hbm.at[pl.ds(cbase, cpw)], idx_v)
        pltpu.sync_copy(
            tgt_hbm.at[pl.ds(cbase * ROWS_PER_CHUNK, cpw * ROWS_PER_CHUNK)],
            tgt_v)

        lane = lax.iota(jnp.int32, L)
        maskr = lane < ROWS_PER_CHUNK

        def start_gather(c, k):
            pltpu.async_copy(table_hbm.at[idx_v.at[c]], bufs[k], gsems[k])

        def wait_gather(c, k):
            pltpu.make_async_copy(
                table_hbm.at[idx_v.at[c]], bufs[k], gsems[k]).wait()

        def logits_dst(c):
            return logits_hbm.at[pl.ds((cbase + c) * ROWS_PER_CHUNK,
                                       ROWS_PER_CHUNK)]

        def wait_scatter(c, k):
            pltpu.make_async_copy(bufs[k], logits_dst(c), ssems[k]).wait()

        for m in range(PREF_D):
            start_gather(m, m)

        def do_chunk(c, k, prefetch):
            buf = bufs[k]
            wait_gather(c, k)

            if prefetch:
                k2 = (k + PREF_D) % RING
                @pl.when(c >= RING - PREF_D)
                def _():
                    wait_scatter(c + PREF_D - RING, k2)
                start_gather(c + PREF_D, k2)
            pltpu.async_copy(buf, logits_dst(c), ssems[k])

            def inner(i, accs):
                s = pl.ds(i * L, L)
                return tuple(a + jnp.exp(buf[j, s]) for j, a in enumerate(accs))

            zero = jnp.zeros((L,), jnp.float32)
            accs = lax.fori_loop(0, steps, inner, (zero,) * ROWS_PER_CHUNK)
            for j in range(ROWS_PER_CHUNK):
                parts_v[j, :] = accs[j]

            toff = c * ROWS_PER_CHUNK + jnp.where(maskr, lane, 0)
            tvec = plsc.load_gather(tgt_v, [toff], mask=maskr)
            vals = plsc.load_gather(buf, [lane, tvec], mask=maskr)
            parts_v[ROWS_PER_CHUNK, :] = jnp.where(maskr, vals, 0.0)
            pltpu.sync_copy(parts_v, parts_hbm.at[cbase + c])

        n_main = RING * ((cpw - PREF_D) // RING)
        def ring_body(p, carry):
            c = RING * p
            for j in range(RING):
                do_chunk(c + j, j, True)
            return carry

        lax.fori_loop(0, n_main // RING, ring_body, 0)
        for c in range(n_main, cpw):
            do_chunk(c, c % RING, c + PREF_D < cpw)
        for c in range(cpw - RING, cpw):
            wait_scatter(c, c % RING)

    return body(table, idx2, tgt2)


def _tc_loss(parts, n_rows):

    def body(parts_ref, out_ref):
        p = parts_ref[...]
        lse = jnp.log(jnp.sum(p[:, :ROWS_PER_CHUNK, :], axis=2))
        total = ((jnp.sum(lse) - jnp.sum(p[:, ROWS_PER_CHUNK, :]))
                 / jnp.float32(n_rows))
        out_ref[...] = jnp.broadcast_to(total, (1, 1))

    return pl.pallas_call(
        body,
        out_shape=jax.ShapeDtypeStruct((1, 1), jnp.float32),
    )(parts)


def kernel(idx, target, table):
    b, s = idx.shape
    vocab = table.shape[1]
    n_rows = b * s

    idx2 = idx.reshape(-1).astype(jnp.int32).reshape(-1, ROWS_PER_CHUNK)
    tgt2 = target.reshape(-1).astype(jnp.int32)

    logits, parts = _sc_gather_loss(table, idx2, tgt2, n_rows, vocab)
    loss = _tc_loss(parts, n_rows)[0, 0]

    return (logits.reshape(b, s, vocab), loss)

# --- scband reference (transcript-rebuilt; emitter-appended) ---
"""Pipeline reference for scband-bigram-language-model-71047349010457 (READ-ONLY COPY).

The authoritative reference and input builder live on the scoring server;
editing this copy changes nothing except your own understanding.
"""

import jax, jax.numpy as jnp
import numpy as np

VOCAB = 8192
B, S = 2, 2048

def setup_inputs(seed: int = 0) -> dict:
    key = jax.random.key(seed)
    k1, k2, k3 = jax.random.split(key, 3)
    idx = jax.random.randint(k1, (B, S), 0, VOCAB, dtype=jnp.int64) if jax.config.jax_enable_x64 else jax.random.randint(k1, (B, S), 0, VOCAB, dtype=jnp.int32)
    target = jax.random.randint(k2, (B, S), 0, VOCAB, dtype=jnp.int64) if jax.config.jax_enable_x64 else jax.random.randint(k2, (B, S), 0, VOCAB, dtype=jnp.int32)
    table = jax.random.normal(k3, (VOCAB, VOCAB), dtype=jnp.float32) * 0.02
    return {"idx": idx, "target": target, "table": table}

def reference(idx, target, table):
    # x = embedding_lookup_table(idx)
    logits = jnp.take(table, idx, axis=0)  # [B, S, V]
    # F.cross_entropy(x.transpose(-2,-1), target): mean NLL over all B*S positions
    logp = jax.nn.log_softmax(logits, axis=-1)
    nll = -jnp.take_along_axis(logp, target[..., None], axis=-1)[..., 0]
    loss = nll.mean()
    return (logits, loss)

if __name__ == "__main__":
    import jax
    _d = setup_inputs()
    print(jax.jit(kernel)(*tuple(_d.values())))

</pallas_src>

<mosaic_0001>
#map = affine_map<(d0, d1) -> (0, 0)>
#map1 = affine_map<(d0, d1) -> (0)>
#map2 = affine_map<(d0, d1) -> (0, 0, 0)>
module attributes {stable_mosaic.version = 14 : i64} {
  func.func @body(%arg0: i32, %arg1: i32, %arg2: memref<8192x8192xf32, #tpu.memory_space<hbm>>, %arg3: memref<1024x4xi32, #tpu.memory_space<hbm>>, %arg4: memref<4096xi32, #tpu.memory_space<hbm>>, %arg5: memref<4096x8192xf32, #tpu.memory_space<hbm>>, %arg6: memref<1024x5x16xf32, #tpu.memory_space<hbm>>, %arg7: memref<32x4xi32, #tpu.memory_space<vmem>>, %arg8: memref<128xi32, #tpu.memory_space<vmem>>, %arg9: memref<5x16xf32, #tpu.memory_space<vmem>>, %arg10: memref<4x8192xf32, #tpu.memory_space<vmem>>, %arg11: memref<4x8192xf32, #tpu.memory_space<vmem>>, %arg12: memref<4x8192xf32, #tpu.memory_space<vmem>>, %arg13: memref<!tpu.dma_semaphore, #tpu.memory_space<semaphore_mem>>, %arg14: memref<!tpu.dma_semaphore, #tpu.memory_space<semaphore_mem>>, %arg15: memref<!tpu.dma_semaphore, #tpu.memory_space<semaphore_mem>>, %arg16: memref<!tpu.dma_semaphore, #tpu.memory_space<semaphore_mem>>, %arg17: memref<!tpu.dma_semaphore, #tpu.memory_space<semaphore_mem>>, %arg18: memref<!tpu.dma_semaphore, #tpu.memory_space<semaphore_mem>>) attributes {dimension_semantics = [#tpu.dimension_semantics<core_parallel>, #tpu.dimension_semantics<subcore_parallel>], iteration_bounds = array<i64: 2, 16>, scalar_prefetch = 0 : i64, scratch_operands = 12 : i64, tpu.core_type = #tpu.core_type<sc_vector_subcore>, window_params = [{transform_indices = #map}, {transform_indices = #map}, {transform_indices = #map1}, {transform_indices = #map}, {transform_indices = #map2}]} {
    %mul3A = arith.constant 2 : i32
    %mul3A_0 = arith.muli %arg1, %mul3A : i32
    %add3A = arith.addi %mul3A_0, %arg0 : i32
    %mul3A_1 = arith.constant 32 : i32
    %mul3A_2 = arith.muli %add3A, %mul3A_1 : i32
    "tpu.region"() ({
      %run_scoped3A = tpu.sem_alloc : memref<!tpu.dma_semaphore, #tpu.memory_space<semaphore_mem>>
      %dma_start3A_155 = arith.constant 0 : i32
      %dma_start3A_156 = tpu.memref_slice %arg3[%mul3A_2, %dma_start3A_155] : memref<1024x4xi32, #tpu.memory_space<hbm>> -> memref<32x4xi32, #tpu.memory_space<hbm>>
      %dma_start3A_157 = arith.constant 0 : i32
      %dma_start3A_158 = tpu.memref_slice %arg3[%mul3A_2, %dma_start3A_157] : memref<1024x4xi32, #tpu.memory_space<hbm>> -> memref<32x4xi32, #tpu.memory_space<hbm>>
      tpu.enqueue_dma source(%dma_start3A_158 : memref<32x4xi32, #tpu.memory_space<hbm>>) target(%arg7 : memref<32x4xi32, #tpu.memory_space<vmem>>) target_semaphore(%run_scoped3A : memref<!tpu.dma_semaphore, #tpu.memory_space<semaphore_mem>>)
      %dma_wait3A_159 = arith.constant 0 : i32
      %dma_wait3A_160 = tpu.memref_slice %arg3[%mul3A_2, %dma_wait3A_159] : memref<1024x4xi32, #tpu.memory_space<hbm>> -> memref<32x4xi32, #tpu.memory_space<hbm>>
      %dma_wait3A_161 = arith.constant 0 : i32
      %dma_wait3A_162 = tpu.memref_slice %arg3[%mul3A_2, %dma_wait3A_161] : memref<1024x4xi32, #tpu.memory_space<hbm>> -> memref<32x4xi32, #tpu.memory_space<hbm>>
      tpu.wait_dma2 semaphore(%run_scoped3A : memref<!tpu.dma_semaphore, #tpu.memory_space<semaphore_mem>>) src(%dma_wait3A_162 : memref<32x4xi32, #tpu.memory_space<hbm>>) dst(%arg7 : memref<32x4xi32, #tpu.memory_space<vmem>>)
      tpu.yield
    }) : () -> ()
    %mul3A_3 = arith.constant 4 : i32
    %mul3A_4 = arith.muli %mul3A_2, %mul3A_3 : i32
    "tpu.region"() ({
      %run_scoped3A = tpu.sem_alloc : memref<!tpu.dma_semaphore, #tpu.memory_space<semaphore_mem>>
      %dma_start3A_155 = tpu.memref_slice %arg4[%mul3A_4] : memref<4096xi32, #tpu.memory_space<hbm>> -> memref<128xi32, #tpu.memory_space<hbm>>
      %dma_start3A_156 = tpu.memref_slice %arg4[%mul3A_4] : memref<4096xi32, #tpu.memory_space<hbm>> -> memref<128xi32, #tpu.memory_space<hbm>>
      tpu.enqueue_dma source(%dma_start3A_156 : memref<128xi32, #tpu.memory_space<hbm>>) target(%arg8 : memref<128xi32, #tpu.memory_space<vmem>>) target_semaphore(%run_scoped3A : memref<!tpu.dma_semaphore, #tpu.memory_space<semaphore_mem>>)
      %dma_wait3A_157 = tpu.memref_slice %arg4[%mul3A_4] : memref<4096xi32, #tpu.memory_space<hbm>> -> memref<128xi32, #tpu.memory_space<hbm>>
      %dma_wait3A_158 = tpu.memref_slice %arg4[%mul3A_4] : memref<4096xi32, #tpu.memory_space<hbm>> -> memref<128xi32, #tpu.memory_space<hbm>>
      tpu.wait_dma2 semaphore(%run_scoped3A : memref<!tpu.dma_semaphore, #tpu.memory_space<semaphore_mem>>) src(%dma_wait3A_158 : memref<128xi32, #tpu.memory_space<hbm>>) dst(%arg8 : memref<128xi32, #tpu.memory_space<vmem>>)
      tpu.yield
    }) : () -> ()
    %iota3A = tpu.iota {dimensions = array<i32: 0>} : vector<16xi32>
    %lt3A = arith.constant 4 : i32
    %lt3A_5 = vector.broadcast %lt3A : i32 to vector<16xi32>
    %lt3A_6 = arith.cmpi slt, %iota3A, %lt3A_5 : vector<16xi32>
    %dma_start3A = arith.constant 0 : i32
    %dma_start3A_7 = arith.constant 0 : i32
    %dma_start3A_8 = tpu.memref_slice %arg7[%dma_start3A, %dma_start3A_7] : memref<32x4xi32, #tpu.memory_space<vmem>> -> memref<1x4xi32, #tpu.memory_space<vmem>>
    %dma_start3A_9 = tpu.memref_squeeze %dma_start3A_8 : memref<1x4xi32, #tpu.memory_space<vmem>> -> memref<4xi32, #tpu.memory_space<vmem>>
    %dma_start3A_10 = arith.constant 0 : i32
    %dma_start3A_11 = arith.constant 0 : i32
    %dma_start3A_12 = tpu.memref_slice %arg2[%dma_start3A_10, %dma_start3A_11] : memref<8192x8192xf32, #tpu.memory_space<hbm>> -> memref<8192x8192xf32, #tpu.memory_space<hbm>>
    tpu.enqueue_indirect_dma source(%dma_start3A_12 : memref<8192x8192xf32, #tpu.memory_space<hbm>>) target(%arg10 : memref<4x8192xf32, #tpu.memory_space<vmem>>) offsets(%dma_start3A_9 : memref<4xi32, #tpu.memory_space<vmem>>) semaphore(%arg13 : memref<!tpu.dma_semaphore, #tpu.memory_space<semaphore_mem>>)
    %dma_start3A_13 = arith.constant 1 : i32
    %dma_start3A_14 = arith.constant 0 : i32
    %dma_start3A_15 = tpu.memref_slice %arg7[%dma_start3A_13, %dma_start3A_14] : memref<32x4xi32, #tpu.memory_space<vmem>> -> memref<1x4xi32, #tpu.memory_space<vmem>>
    %dma_start3A_16 = tpu.memref_squeeze %dma_start3A_15 : memref<1x4xi32, #tpu.memory_space<vmem>> -> memref<4xi32, #tpu.memory_space<vmem>>
    %dma_start3A_17 = arith.constant 0 : i32
    %dma_start3A_18 = arith.constant 0 : i32
    %dma_start3A_19 = tpu.memref_slice %arg2[%dma_start3A_17, %dma_start3A_18] : memref<8192x8192xf32, #tpu.memory_space<hbm>> -> memref<8192x8192xf32, #tpu.memory_space<hbm>>
    tpu.enqueue_indirect_dma source(%dma_start3A_19 : memref<8192x8192xf32, #tpu.memory_space<hbm>>) target(%arg11 : memref<4x8192xf32, #tpu.memory_space<vmem>>) offsets(%dma_start3A_16 : memref<4xi32, #tpu.memory_space<vmem>>) semaphore(%arg14 : memref<!tpu.dma_semaphore, #tpu.memory_space<semaphore_mem>>)
    %scan3A = arith.constant 0 : i32
    %scan3A_20 = arith.constant 0 : i32
    %scan3A_21 = arith.constant 10 : i32
    %scan3A_22 = arith.addi %scan3A_20, %scan3A_21 : i32
    %scan3A_23 = arith.constant 1 : i32
    scf.for %scan3A_155 = %scan3A_20 to %scan3A_22 step %scan3A_23  : i32 {
      %mul3A_156 = arith.constant 3 : i32
      %mul3A_157 = arith.muli %mul3A_156, %scan3A_155 : i32
      %add3A_158 = arith.constant 0 : i32
      %add3A_159 = arith.addi %mul3A_157, %add3A_158 : i32
      %dma_wait3A_160 = arith.constant 0 : i32
      %dma_wait3A_161 = tpu.memref_slice %arg7[%add3A_159, %dma_wait3A_160] : memref<32x4xi32, #tpu.memory_space<vmem>> -> memref<1x4xi32, #tpu.memory_space<vmem>>
      %dma_wait3A_162 = tpu.memref_squeeze %dma_wait3A_161 : memref<1x4xi32, #tpu.memory_space<vmem>> -> memref<4xi32, #tpu.memory_space<vmem>>
      %dma_wait3A_163 = arith.constant 0 : i32
      %dma_wait3A_164 = arith.constant 0 : i32
      %dma_wait3A_165 = tpu.memref_slice %arg2[%dma_wait3A_163, %dma_wait3A_164] : memref<8192x8192xf32, #tpu.memory_space<hbm>> -> memref<8192x8192xf32, #tpu.memory_space<hbm>>
      tpu.wait_indirect_dma semaphore(%arg13 : memref<!tpu.dma_semaphore, #tpu.memory_space<semaphore_mem>>) src(%dma_wait3A_165 : memref<8192x8192xf32, #tpu.memory_space<hbm>>) dst(%arg10 : memref<4x8192xf32, #tpu.memory_space<vmem>>)
      %ge3A = arith.constant 1 : i32
      %ge3A_166 = arith.cmpi sge, %add3A_159, %ge3A : i32
      %convert_element_type3A = arith.extui %ge3A_166 : i1 to i32
      %cond3A = arith.constant 0 : i32
      %cond3A_167 = arith.cmpi ne, %convert_element_type3A, %cond3A : i32
      scf.if %cond3A_167 {
        %add3A_362 = arith.constant 2 : i32
        %add3A_363 = arith.addi %add3A_159, %add3A_362 : i32
        %sub3A = arith.constant 3 : i32
        %sub3A_364 = arith.subi %add3A_363, %sub3A : i32
        %add3A_365 = arith.addi %mul3A_2, %sub3A_364 : i32
        %mul3A_366 = arith.constant 4 : i32
        %mul3A_367 = arith.muli %add3A_365, %mul3A_366 : i32
        %dma_wait3A_368 = arith.constant 0 : i32
        %dma_wait3A_369 = tpu.memref_slice %arg5[%mul3A_367, %dma_wait3A_368] : memref<4096x8192xf32, #tpu.memory_space<hbm>> -> memref<4x8192xf32, #tpu.memory_space<hbm>>
        %dma_wait3A_370 = arith.constant 0 : i32
        %dma_wait3A_371 = tpu.memref_slice %arg5[%mul3A_367, %dma_wait3A_370] : memref<4096x8192xf32, #tpu.memory_space<hbm>> -> memref<4x8192xf32, #tpu.memory_space<hbm>>
        tpu.wait_dma2 semaphore(%arg18 : memref<!tpu.dma_semaphore, #tpu.memory_space<semaphore_mem>>) src(%arg12 : memref<4x8192xf32, #tpu.memory_space<vmem>>) dst(%dma_wait3A_371 : memref<4x8192xf32, #tpu.memory_space<hbm>>)
      } else {
      }
      %add3A_168 = arith.constant 2 : i32
      %add3A_169 = arith.addi %add3A_159, %add3A_168 : i32
      %dma_start3A_170 = arith.constant 0 : i32
      %dma_start3A_171 = tpu.memref_slice %arg7[%add3A_169, %dma_start3A_170] : memref<32x4xi32, #tpu.memory_space<vmem>> -> memref<1x4xi32, #tpu.memory_space<vmem>>
      %dma_start3A_172 = tpu.memref_squeeze %dma_start3A_171 : memref<1x4xi32, #tpu.memory_space<vmem>> -> memref<4xi32, #tpu.memory_space<vmem>>
      %dma_start3A_173 = arith.constant 0 : i32
      %dma_start3A_174 = arith.constant 0 : i32
      %dma_start3A_175 = tpu.memref_slice %arg2[%dma_start3A_173, %dma_start3A_174] : memref<8192x8192xf32, #tpu.memory_space<hbm>> -> memref<8192x8192xf32, #tpu.memory_space<hbm>>
      tpu.enqueue_indirect_dma source(%dma_start3A_175 : memref<8192x8192xf32, #tpu.memory_space<hbm>>) target(%arg12 : memref<4x8192xf32, #tpu.memory_space<vmem>>) offsets(%dma_start3A_172 : memref<4xi32, #tpu.memory_space<vmem>>) semaphore(%arg15 : memref<!tpu.dma_semaphore, #tpu.memory_space<semaphore_mem>>)
      %add3A_176 = arith.addi %mul3A_2, %add3A_159 : i32
      %mul3A_177 = arith.constant 4 : i32
      %mul3A_178 = arith.muli %add3A_176, %mul3A_177 : i32
      %dma_start3A_179 = arith.constant 0 : i32
      %dma_start3A_180 = tpu.memref_slice %arg5[%mul3A_178, %dma_start3A_179] : memref<4096x8192xf32, #tpu.memory_space<hbm>> -> memref<4x8192xf32, #tpu.memory_space<hbm>>
      %dma_start3A_181 = arith.constant 0 : i32
      %dma_start3A_182 = tpu.memref_slice %arg5[%mul3A_178, %dma_start3A_181] : memref<4096x8192xf32, #tpu.memory_space<hbm>> -> memref<4x8192xf32, #tpu.memory_space<hbm>>
      tpu.enqueue_dma source(%arg10 : memref<4x8192xf32, #tpu.memory_space<vmem>>) target(%dma_start3A_182 : memref<4x8192xf32, #tpu.memory_space<hbm>>) target_semaphore(%arg16 : memref<!tpu.dma_semaphore, #tpu.memory_space<semaphore_mem>>)
      %broadcast_in_dim3A_183 = arith.constant 0.000000e+00 : f32
      %broadcast_in_dim3A_184 = vector.broadcast %broadcast_in_dim3A_183 : f32 to vector<16xf32>
      %scan3A_185 = arith.constant 0 : i32
      %scan3A_186 = arith.constant 512 : i32
      %scan3A_187 = arith.addi %scan3A_185, %scan3A_186 : i32
      %scan3A_188 = arith.constant 1 : i32
      %scan3A_189:4 = scf.for %scan3A_362 = %scan3A_185 to %scan3A_187 step %scan3A_188 iter_args(%scan3A_363 = %broadcast_in_dim3A_184, %scan3A_364 = %broadcast_in_dim3A_184, %scan3A_365 = %broadcast_in_dim3A_184, %scan3A_366 = %broadcast_in_dim3A_184) -> (vector<16xf32>, vector<16xf32>, vector<16xf32>, vector<16xf32>)  : i32 {
        %mul3A_367 = arith.constant 16 : i32
        %mul3A_368 = arith.muli %scan3A_362, %mul3A_367 : i32
        %get3A = arith.constant 0 : i32
        %get3A_369 = arith.index_cast %get3A : i32 to index
        %get3A_370 = arith.index_cast %mul3A_368 : i32 to index
        %get3A_371 = tpu.vector_load %arg10[%get3A_369, %get3A_370] {strides = array<i32>} : memref<4x8192xf32, #tpu.memory_space<vmem>>, vector<16xf32>,
        %exp3A = math.exp %get3A_371 : vector<16xf32>
        %add3A_372 = arith.addf %scan3A_363, %exp3A : vector<16xf32>
        %get3A_373 = arith.constant 1 : i32
        %get3A_374 = arith.index_cast %get3A_373 : i32 to index
        %get3A_375 = arith.index_cast %mul3A_368 : i32 to index
        %get3A_376 = tpu.vector_load %arg10[%get3A_374, %get3A_375] {strides = array<i32>} : memref<4x8192xf32, #tpu.memory_space<vmem>>, vector<16xf32>,
        %exp3A_377 = math.exp %get3A_376 : vector<16xf32>
        %add3A_378 = arith.addf %scan3A_364, %exp3A_377 : vector<16xf32>
        %get3A_379 = arith.constant 2 : i32
        %get3A_380 = arith.index_cast %get3A_379 : i32 to index
        %get3A_381 = arith.index_cast %mul3A_368 : i32 to index
        %get3A_382 = tpu.vector_load %arg10[%get3A_380, %get3A_381] {strides = array<i32>} : memref<4x8192xf32, #tpu.memory_space<vmem>>, vector<16xf32>,
        %exp3A_383 = math.exp %get3A_382 : vector<16xf32>
        %add3A_384 = arith.addf %scan3A_365, %exp3A_383 : vector<16xf32>
        %get3A_385 = arith.constant 3 : i32
        %get3A_386 = arith.index_cast %get3A_385 : i32 to index
        %get3A_387 = arith.index_cast %mul3A_368 : i32 to index
        %get3A_388 = tpu.vector_load %arg10[%get3A_386, %get3A_387] {strides = array<i32>} : memref<4x8192xf32, #tpu.memory_space<vmem>>, vector<16xf32>,
        %exp3A_389 = math.exp %get3A_388 : vector<16xf32>
        %add3A_390 = arith.addf %scan3A_366, %exp3A_389 : vector<16xf32>
        scf.yield %add3A_372, %add3A_378, %add3A_384, %add3A_390 : vector<16xf32>, vector<16xf32>, vector<16xf32>, vector<16xf32>
      }
      %scan3A_190 = arith.constant 512 : i32
      %swap3A_191 = arith.constant 0 : i32
      %swap3A_192 = arith.index_cast %swap3A_191 : i32 to index
      %swap3A_193 = arith.constant 0 : index
      %swap3A_194 = tpu.vector_load %arg9[%swap3A_192, %swap3A_193] {strides = array<i32>} : memref<5x16xf32, #tpu.memory_space<vmem>>, vector<16xf32>,
      tpu.vector_store %arg9[%swap3A_192, %swap3A_193], %scan3A_189#0 {strides = array<i32>} : memref<5x16xf32, #tpu.memory_space<vmem>>, vector<16xf32>,
      %swap3A_195 = arith.constant 1 : i32
      %swap3A_196 = arith.index_cast %swap3A_195 : i32 to index
      %swap3A_197 = arith.constant 0 : index
      %swap3A_198 = tpu.vector_load %arg9[%swap3A_196, %swap3A_197] {strides = array<i32>} : memref<5x16xf32, #tpu.memory_space<vmem>>, vector<16xf32>,
      tpu.vector_store %arg9[%swap3A_196, %swap3A_197], %scan3A_189#1 {strides = array<i32>} : memref<5x16xf32, #tpu.memory_space<vmem>>, vector<16xf32>,
      %swap3A_199 = arith.constant 2 : i32
      %swap3A_200 = arith.index_cast %swap3A_199 : i32 to index
      %swap3A_201 = arith.constant 0 : index
      %swap3A_202 = tpu.vector_load %arg9[%swap3A_200, %swap3A_201] {strides = array<i32>} : memref<5x16xf32, #tpu.memory_space<vmem>>, vector<16xf32>,
      tpu.vector_store %arg9[%swap3A_200, %swap3A_201], %scan3A_189#2 {strides = array<i32>} : memref<5x16xf32, #tpu.memory_space<vmem>>, vector<16xf32>,
      %swap3A_203 = arith.constant 3 : i32
      %swap3A_204 = arith.index_cast %swap3A_203 : i32 to index
      %swap3A_205 = arith.constant 0 : index
      %swap3A_206 = tpu.vector_load %arg9[%swap3A_204, %swap3A_205] {strides = array<i32>} : memref<5x16xf32, #tpu.memory_space<vmem>>, vector<16xf32>,
      tpu.vector_store %arg9[%swap3A_204, %swap3A_205], %scan3A_189#3 {strides = array<i32>} : memref<5x16xf32, #tpu.memory_space<vmem>>, vector<16xf32>,
      %mul3A_207 = arith.constant 4 : i32
      %mul3A_208 = arith.muli %add3A_159, %mul3A_207 : i32
      %jit3A_209 = arith.constant 0 : i32
      %broadcast_in_dim3A_210 = vector.broadcast %jit3A_209 : i32 to vector<16xi32>
      %select_n3A_211 = arith.select %lt3A_6, %iota3A, %broadcast_in_dim3A_210 : vector<16xi1>, vector<16xi32>
      %add3A_212 = vector.broadcast %mul3A_208 : i32 to vector<16xi32>
      %add3A_213 = arith.addi %add3A_212, %select_n3A_211 : vector<16xi32>
      %gather3A_214 = tpu.vector_load_idx %arg8[%add3A_213] masked %lt3A_6 : memref<128xi32, #tpu.memory_space<vmem>>[vector<16xi32>], vector<16xi32>, vector<16xi1>
      %gather3A_215 = tpu.vector_load_idx %arg10[%iota3A, %gather3A_214] masked %lt3A_6 : memref<4x8192xf32, #tpu.memory_space<vmem>>[vector<16xi32>, vector<16xi32>], vector<16xf32>, vector<16xi1>
      %jit3A_216 = arith.constant 0.000000e+00 : f32
      %broadcast_in_dim3A_217 = vector.broadcast %jit3A_216 : f32 to vector<16xf32>
      %select_n3A_218 = arith.select %lt3A_6, %gather3A_215, %broadcast_in_dim3A_217 : vector<16xi1>, vector<16xf32>
      %swap3A_219 = arith.constant 4 : i32
      %swap3A_220 = arith.index_cast %swap3A_219 : i32 to index
      %swap3A_221 = arith.constant 0 : index
      %swap3A_222 = tpu.vector_load %arg9[%swap3A_220, %swap3A_221] {strides = array<i32>} : memref<5x16xf32, #tpu.memory_space<vmem>>, vector<16xf32>,
      tpu.vector_store %arg9[%swap3A_220, %swap3A_221], %select_n3A_218 {strides = array<i32>} : memref<5x16xf32, #tpu.memory_space<vmem>>, vector<16xf32>,
      %add3A_223 = arith.addi %mul3A_2, %add3A_159 : i32
      "tpu.region"() ({
        %run_scoped3A = tpu.sem_alloc : memref<!tpu.dma_semaphore, #tpu.memory_space<semaphore_mem>>
        %dma_start3A_362 = arith.constant 0 : i32
        %dma_start3A_363 = arith.constant 0 : i32
        %dma_start3A_364 = tpu.memref_slice %arg6[%add3A_223, %dma_start3A_362, %dma_start3A_363] : memref<1024x5x16xf32, #tpu.memory_space<hbm>> -> memref<1x5x16xf32, #tpu.memory_space<hbm>>
        %dma_start3A_365 = tpu.memref_squeeze %dma_start3A_364 : memref<1x5x16xf32, #tpu.memory_space<hbm>> -> memref<5x16xf32, #tpu.memory_space<hbm>>
        %dma_start3A_366 = arith.constant 0 : i32
        %dma_start3A_367 = arith.constant 0 : i32
        %dma_start3A_368 = tpu.memref_slice %arg6[%add3A_223, %dma_start3A_366, %dma_start3A_367] : memref<1024x5x16xf32, #tpu.memory_space<hbm>> -> memref<1x5x16xf32, #tpu.memory_space<hbm>>
        %dma_start3A_369 = tpu.memref_squeeze %dma_start3A_368 : memref<1x5x16xf32, #tpu.memory_space<hbm>> -> memref<5x16xf32, #tpu.memory_space<hbm>>
        tpu.enqueue_dma source(%arg9 : memref<5x16xf32, #tpu.memory_space<vmem>>) target(%dma_start3A_369 : memref<5x16xf32, #tpu.memory_space<hbm>>) target_semaphore(%run_scoped3A : memref<!tpu.dma_semaphore, #tpu.memory_space<semaphore_mem>>)
        %dma_wait3A_370 = arith.constant 0 : i32
        %dma_wait3A_371 = arith.constant 0 : i32
        %dma_wait3A_372 = tpu.memref_slice %arg6[%add3A_223, %dma_wait3A_370, %dma_wait3A_371] : memref<1024x5x16xf32, #tpu.memory_space<hbm>> -> memref<1x5x16xf32, #tpu.memory_space<hbm>>
        %dma_wait3A_373 = tpu.memref_squeeze %dma_wait3A_372 : memref<1x5x16xf32, #tpu.memory_space<hbm>> -> memref<5x16xf32, #tpu.memory_space<hbm>>
        %dma_wait3A_374 = arith.constant 0 : i32
        %dma_wait3A_375 = arith.constant 0 : i32
        %dma_wait3A_376 = tpu.memref_slice %arg6[%add3A_223, %dma_wait3A_374, %dma_wait3A_375] : memref<1024x5x16xf32, #tpu.memory_space<hbm>> -> memref<1x5x16xf32, #tpu.memory_space<hbm>>
        %dma_wait3A_377 = tpu.memref_squeeze %dma_wait3A_376 : memref<1x5x16xf32, #tpu.memory_space<hbm>> -> memref<5x16xf32, #tpu.memory_space<hbm>>
        tpu.wait_dma2 semaphore(%run_scoped3A : memref<!tpu.dma_semaphore, #tpu.memory_space<semaphore_mem>>) src(%arg9 : memref<5x16xf32, #tpu.memory_space<vmem>>) dst(%dma_wait3A_377 : memref<5x16xf32, #tpu.memory_space<hbm>>)
        tpu.yield
      }) : () -> ()
      %add3A_224 = arith.constant 1 : i32
      %add3A_225 = arith.addi %mul3A_157, %add3A_224 : i32
      %dma_wait3A_226 = arith.constant 0 : i32
      %dma_wait3A_227 = tpu.memref_slice %arg7[%add3A_225, %dma_wait3A_226] : memref<32x4xi32, #tpu.memory_space<vmem>> -> memref<1x4xi32, #tpu.memory_space<vmem>>
      %dma_wait3A_228 = tpu.memref_squeeze %dma_wait3A_227 : memref<1x4xi32, #tpu.memory_space<vmem>> -> memref<4xi32, #tpu.memory_space<vmem>>
      %dma_wait3A_229 = arith.constant 0 : i32
      %dma_wait3A_230 = arith.constant 0 : i32
      %dma_wait3A_231 = tpu.memref_slice %arg2[%dma_wait3A_229, %dma_wait3A_230] : memref<8192x8192xf32, #tpu.memory_space<hbm>> -> memref<8192x8192xf32, #tpu.memory_space<hbm>>
      tpu.wait_indirect_dma semaphore(%arg14 : memref<!tpu.dma_semaphore, #tpu.memory_space<semaphore_mem>>) src(%dma_wait3A_231 : memref<8192x8192xf32, #tpu.memory_space<hbm>>) dst(%arg11 : memref<4x8192xf32, #tpu.memory_space<vmem>>)
      %ge3A_232 = arith.constant 1 : i32
      %ge3A_233 = arith.cmpi sge, %add3A_225, %ge3A_232 : i32
      %convert_element_type3A_234 = arith.extui %ge3A_233 : i1 to i32
      %cond3A_235 = arith.constant 0 : i32
      %cond3A_236 = arith.cmpi ne, %convert_element_type3A_234, %cond3A_235 : i32
      scf.if %cond3A_236 {
        %add3A_362 = arith.constant 2 : i32
        %add3A_363 = arith.addi %add3A_225, %add3A_362 : i32
        %sub3A = arith.constant 3 : i32
        %sub3A_364 = arith.subi %add3A_363, %sub3A : i32
        %add3A_365 = arith.addi %mul3A_2, %sub3A_364 : i32
        %mul3A_366 = arith.constant 4 : i32
        %mul3A_367 = arith.muli %add3A_365, %mul3A_366 : i32
        %dma_wait3A_368 = arith.constant 0 : i32
        %dma_wait3A_369 = tpu.memref_slice %arg5[%mul3A_367, %dma_wait3A_368] : memref<4096x8192xf32, #tpu.memory_space<hbm>> -> memref<4x8192xf32, #tpu.memory_space<hbm>>
        %dma_wait3A_370 = arith.constant 0 : i32
        %dma_wait3A_371 = tpu.memref_slice %arg5[%mul3A_367, %dma_wait3A_370] : memref<4096x8192xf32, #tpu.memory_space<hbm>> -> memref<4x8192xf32, #tpu.memory_space<hbm>>
        tpu.wait_dma2 semaphore(%arg16 : memref<!tpu.dma_semaphore, #tpu.memory_space<semaphore_mem>>) src(%arg10 : memref<4x8192xf32, #tpu.memory_space<vmem>>) dst(%dma_wait3A_371 : memref<4x8192xf32, #tpu.memory_space<hbm>>)
      } else {
      }
      %add3A_237 = arith.constant 2 : i32
      %add3A_238 = arith.addi %add3A_225, %add3A_237 : i32
      %dma_start3A_239 = arith.constant 0 : i32
      %dma_start3A_240 = tpu.memref_slice %arg7[%add3A_238, %dma_start3A_239] : memref<32x4xi32, #tpu.memory_space<vmem>> -> memref<1x4xi32, #tpu.memory_space<vmem>>
      %dma_start3A_241 = tpu.memref_squeeze %dma_start3A_240 : memref<1x4xi32, #tpu.memory_space<vmem>> -> memref<4xi32, #tpu.memory_space<vmem>>
      %dma_start3A_242 = arith.constant 0 : i32
      %dma_start3A_243 = arith.constant 0 : i32
      %dma_start3A_244 = tpu.memref_slice %arg2[%dma_start3A_242, %dma_start3A_243] : memref<8192x8192xf32, #tpu.memory_space<hbm>> -> memref<8192x8192xf32, #tpu.memory_space<hbm>>
      tpu.enqueue_indirect_dma source(%dma_start3A_244 : memref<8192x8192xf32, #tpu.memory_space<hbm>>) target(%arg10 : memref<4x8192xf32, #tpu.memory_space<vmem>>) offsets(%dma_start3A_241 : memref<4xi32, #tpu.memory_space<vmem>>) semaphore(%arg13 : memref<!tpu.dma_semaphore, #tpu.memory_space<semaphore_mem>>)
      %add3A_245 = arith.addi %mul3A_2, %add3A_225 : i32
      %mul3A_246 = arith.constant 4 : i32
      %mul3A_247 = arith.muli %add3A_245, %mul3A_246 : i32
      %dma_start3A_248 = arith.constant 0 : i32
      %dma_start3A_249 = tpu.memref_slice %arg5[%mul3A_247, %dma_start3A_248] : memref<4096x8192xf32, #tpu.memory_space<hbm>> -> memref<4x8192xf32, #tpu.memory_space<hbm>>
      %dma_start3A_250 = arith.constant 0 : i32
      %dma_start3A_251 = tpu.memref_slice %arg5[%mul3A_247, %dma_start3A_250] : memref<4096x8192xf32, #tpu.memory_space<hbm>> -> memref<4x8192xf32, #tpu.memory_space<hbm>>
      tpu.enqueue_dma source(%arg11 : memref<4x8192xf32, #tpu.memory_space<vmem>>) target(%dma_start3A_251 : memref<4x8192xf32, #tpu.memory_space<hbm>>) target_semaphore(%arg17 : memref<!tpu.dma_semaphore, #tpu.memory_space<semaphore_mem>>)
      %broadcast_in_dim3A_252 = arith.constant 0.000000e+00 : f32
      %broadcast_in_dim3A_253 = vector.broadcast %broadcast_in_dim3A_252 : f32 to vector<16xf32>
      %scan3A_254 = arith.constant 0 : i32
      %scan3A_255 = arith.constant 512 : i32
      %scan3A_256 = arith.addi %scan3A_254, %scan3A_255 : i32
      %scan3A_257 = arith.constant 1 : i32
      %scan3A_258:4 = scf.for %scan3A_362 = %scan3A_254 to %scan3A_256 step %scan3A_257 iter_args(%scan3A_363 = %broadcast_in_dim3A_253, %scan3A_364 = %broadcast_in_dim3A_253, %scan3A_365 = %broadcast_in_dim3A_253, %scan3A_366 = %broadcast_in_dim3A_253) -> (vector<16xf32>, vector<16xf32>, vector<16xf32>, vector<16xf32>)  : i32 {
        %mul3A_367 = arith.constant 16 : i32
        %mul3A_368 = arith.muli %scan3A_362, %mul3A_367 : i32
        %get3A = arith.constant 0 : i32
        %get3A_369 = arith.index_cast %get3A : i32 to index
        %get3A_370 = arith.index_cast %mul3A_368 : i32 to index
        %get3A_371 = tpu.vector_load %arg11[%get3A_369, %get3A_370] {strides = array<i32>} : memref<4x8192xf32, #tpu.memory_space<vmem>>, vector<16xf32>,
        %exp3A = math.exp %get3A_371 : vector<16xf32>
        %add3A_372 = arith.addf %scan3A_363, %exp3A : vector<16xf32>
        %get3A_373 = arith.constant 1 : i32
        %get3A_374 = arith.index_cast %get3A_373 : i32 to index
        %get3A_375 = arith.index_cast %mul3A_368 : i32 to index
        %get3A_376 = tpu.vector_load %arg11[%get3A_374, %get3A_375] {strides = array<i32>} : memref<4x8192xf32, #tpu.memory_space<vmem>>, vector<16xf32>,
        %exp3A_377 = math.exp %get3A_376 : vector<16xf32>
        %add3A_378 = arith.addf %scan3A_364, %exp3A_377 : vector<16xf32>
        %get3A_379 = arith.constant 2 : i32
        %get3A_380 = arith.index_cast %get3A_379 : i32 to index
        %get3A_381 = arith.index_cast %mul3A_368 : i32 to index
        %get3A_382 = tpu.vector_load %arg11[%get3A_380, %get3A_381] {strides = array<i32>} : memref<4x8192xf32, #tpu.memory_space<vmem>>, vector<16xf32>,
        %exp3A_383 = math.exp %get3A_382 : vector<16xf32>
        %add3A_384 = arith.addf %scan3A_365, %exp3A_383 : vector<16xf32>
        %get3A_385 = arith.constant 3 : i32
        %get3A_386 = arith.index_cast %get3A_385 : i32 to index
        %get3A_387 = arith.index_cast %mul3A_368 : i32 to index
        %get3A_388 = tpu.vector_load %arg11[%get3A_386, %get3A_387] {strides = array<i32>} : memref<4x8192xf32, #tpu.memory_space<vmem>>, vector<16xf32>,
        %exp3A_389 = math.exp %get3A_388 : vector<16xf32>
        %add3A_390 = arith.addf %scan3A_366, %exp3A_389 : vector<16xf32>
        scf.yield %add3A_372, %add3A_378, %add3A_384, %add3A_390 : vector<16xf32>, vector<16xf32>, vector<16xf32>, vector<16xf32>
      }
      %scan3A_259 = arith.constant 512 : i32
      %swap3A_260 = arith.constant 0 : i32
      %swap3A_261 = arith.index_cast %swap3A_260 : i32 to index
      %swap3A_262 = arith.constant 0 : index
      %swap3A_263 = tpu.vector_load %arg9[%swap3A_261, %swap3A_262] {strides = array<i32>} : memref<5x16xf32, #tpu.memory_space<vmem>>, vector<16xf32>,
      tpu.vector_store %arg9[%swap3A_261, %swap3A_262], %scan3A_258#0 {strides = array<i32>} : memref<5x16xf32, #tpu.memory_space<vmem>>, vector<16xf32>,
      %swap3A_264 = arith.constant 1 : i32
      %swap3A_265 = arith.index_cast %swap3A_264 : i32 to index
      %swap3A_266 = arith.constant 0 : index
      %swap3A_267 = tpu.vector_load %arg9[%swap3A_265, %swap3A_266] {strides = array<i32>} : memref<5x16xf32, #tpu.memory_space<vmem>>, vector<16xf32>,
      tpu.vector_store %arg9[%swap3A_265, %swap3A_266], %scan3A_258#1 {strides = array<i32>} : memref<5x16xf32, #tpu.memory_space<vmem>>, vector<16xf32>,
      %swap3A_268 = arith.constant 2 : i32
      %swap3A_269 = arith.index_cast %swap3A_268 : i32 to index
      %swap3A_270 = arith.constant 0 : index
      %swap3A_271 = tpu.vector_load %arg9[%swap3A_269, %swap3A_270] {strides = array<i32>} : memref<5x16xf32, #tpu.memory_space<vmem>>, vector<16xf32>,
      tpu.vector_store %arg9[%swap3A_269, %swap3A_270], %scan3A_258#2 {strides = array<i32>} : memref<5x16xf32, #tpu.memory_space<vmem>>, vector<16xf32>,
      %swap3A_272 = arith.constant 3 : i32
      %swap3A_273 = arith.index_cast %swap3A_272 : i32 to index
      %swap3A_274 = arith.constant 0 : index
      %swap3A_275 = tpu.vector_load %arg9[%swap3A_273, %swap3A_274] {strides = array<i32>} : memref<5x16xf32, #tpu.memory_space<vmem>>, vector<16xf32>,
      tpu.vector_store %arg9[%swap3A_273, %swap3A_274], %scan3A_258#3 {strides = array<i32>} : memref<5x16xf32, #tpu.memory_space<vmem>>, vector<16xf32>,
      %mul3A_276 = arith.constant 4 : i32
      %mul3A_277 = arith.muli %add3A_225, %mul3A_276 : i32
      %jit3A_278 = arith.constant 0 : i32
      %broadcast_in_dim3A_279 = vector.broadcast %jit3A_278 : i32 to vector<16xi32>
      %select_n3A_280 = arith.select %lt3A_6, %iota3A, %broadcast_in_dim3A_279 : vector<16xi1>, vector<16xi32>
      %add3A_281 = vector.broadcast %mul3A_277 : i32 to vector<16xi32>
      %add3A_282 = arith.addi %add3A_281, %select_n3A_280 : vector<16xi32>
      %gather3A_283 = tpu.vector_load_idx %arg8[%add3A_282] masked %lt3A_6 : memref<128xi32, #tpu.memory_space<vmem>>[vector<16xi32>], vector<16xi32>, vector<16xi1>
      %gather3A_284 = tpu.vector_load_idx %arg11[%iota3A, %gather3A_283] masked %lt3A_6 : memref<4x8192xf32, #tpu.memory_space<vmem>>[vector<16xi32>, vector<16xi32>], vector<16xf32>, vector<16xi1>
      %jit3A_285 = arith.constant 0.000000e+00 : f32
      %broadcast_in_dim3A_286 = vector.broadcast %jit3A_285 : f32 to vector<16xf32>
      %select_n3A_287 = arith.select %lt3A_6, %gather3A_284, %broadcast_in_dim3A_286 : vector<16xi1>, vector<16xf32>
      %swap3A_288 = arith.constant 4 : i32
      %swap3A_289 = arith.index_cast %swap3A_288 : i32 to index
      %swap3A_290 = arith.constant 0 : index
      %swap3A_291 = tpu.vector_load %arg9[%swap3A_289, %swap3A_290] {strides = array<i32>} : memref<5x16xf32, #tpu.memory_space<vmem>>, vector<16xf32>,
      tpu.vector_store %arg9[%swap3A_289, %swap3A_290], %select_n3A_287 {strides = array<i32>} : memref<5x16xf32, #tpu.memory_space<vmem>>, vector<16xf32>,
      %add3A_292 = arith.addi %mul3A_2, %add3A_225 : i32
      "tpu.region"() ({
        %run_scoped3A = tpu.sem_alloc : memref<!tpu.dma_semaphore, #tpu.memory_space<semaphore_mem>>
        %dma_start3A_362 = arith.constant 0 : i32
        %dma_start3A_363 = arith.constant 0 : i32
        %dma_start3A_364 = tpu.memref_slice %arg6[%add3A_292, %dma_start3A_362, %dma_start3A_363] : memref<1024x5x16xf32, #tpu.memory_space<hbm>> -> memref<1x5x16xf32, #tpu.memory_space<hbm>>
        %dma_start3A_365 = tpu.memref_squeeze %dma_start3A_364 : memref<1x5x16xf32, #tpu.memory_space<hbm>> -> memref<5x16xf32, #tpu.memory_space<hbm>>
        %dma_start3A_366 = arith.constant 0 : i32
        %dma_start3A_367 = arith.constant 0 : i32
        %dma_start3A_368 = tpu.memref_slice %arg6[%add3A_292, %dma_start3A_366, %dma_start3A_367] : memref<1024x5x16xf32, #tpu.memory_space<hbm>> -> memref<1x5x16xf32, #tpu.memory_space<hbm>>
        %dma_start3A_369 = tpu.memref_squeeze %dma_start3A_368 : memref<1x5x16xf32, #tpu.memory_space<hbm>> -> memref<5x16xf32, #tpu.memory_space<hbm>>
        tpu.enqueue_dma source(%arg9 : memref<5x16xf32, #tpu.memory_space<vmem>>) target(%dma_start3A_369 : memref<5x16xf32, #tpu.memory_space<hbm>>) target_semaphore(%run_scoped3A : memref<!tpu.dma_semaphore, #tpu.memory_space<semaphore_mem>>)
        %dma_wait3A_370 = arith.constant 0 : i32
        %dma_wait3A_371 = arith.constant 0 : i32
        %dma_wait3A_372 = tpu.memref_slice %arg6[%add3A_292, %dma_wait3A_370, %dma_wait3A_371] : memref<1024x5x16xf32, #tpu.memory_space<hbm>> -> memref<1x5x16xf32, #tpu.memory_space<hbm>>
        %dma_wait3A_373 = tpu.memref_squeeze %dma_wait3A_372 : memref<1x5x16xf32, #tpu.memory_space<hbm>> -> memref<5x16xf32, #tpu.memory_space<hbm>>
        %dma_wait3A_374 = arith.constant 0 : i32
        %dma_wait3A_375 = arith.constant 0 : i32
        %dma_wait3A_376 = tpu.memref_slice %arg6[%add3A_292, %dma_wait3A_374, %dma_wait3A_375] : memref<1024x5x16xf32, #tpu.memory_space<hbm>> -> memref<1x5x16xf32, #tpu.memory_space<hbm>>
        %dma_wait3A_377 = tpu.memref_squeeze %dma_wait3A_376 : memref<1x5x16xf32, #tpu.memory_space<hbm>> -> memref<5x16xf32, #tpu.memory_space<hbm>>
        tpu.wait_dma2 semaphore(%run_scoped3A : memref<!tpu.dma_semaphore, #tpu.memory_space<semaphore_mem>>) src(%arg9 : memref<5x16xf32, #tpu.memory_space<vmem>>) dst(%dma_wait3A_377 : memref<5x16xf32, #tpu.memory_space<hbm>>)
        tpu.yield
      }) : () -> ()
      %add3A_293 = arith.constant 2 : i32
      %add3A_294 = arith.addi %mul3A_157, %add3A_293 : i32
      %dma_wait3A_295 = arith.constant 0 : i32
      %dma_wait3A_296 = tpu.memref_slice %arg7[%add3A_294, %dma_wait3A_295] : memref<32x4xi32, #tpu.memory_space<vmem>> -> memref<1x4xi32, #tpu.memory_space<vmem>>
      %dma_wait3A_297 = tpu.memref_squeeze %dma_wait3A_296 : memref<1x4xi32, #tpu.memory_space<vmem>> -> memref<4xi32, #tpu.memory_space<vmem>>
      %dma_wait3A_298 = arith.constant 0 : i32
      %dma_wait3A_299 = arith.constant 0 : i32
      %dma_wait3A_300 = tpu.memref_slice %arg2[%dma_wait3A_298, %dma_wait3A_299] : memref<8192x8192xf32, #tpu.memory_space<hbm>> -> memref<8192x8192xf32, #tpu.memory_space<hbm>>
      tpu.wait_indirect_dma semaphore(%arg15 : memref<!tpu.dma_semaphore, #tpu.memory_space<semaphore_mem>>) src(%dma_wait3A_300 : memref<8192x8192xf32, #tpu.memory_space<hbm>>) dst(%arg12 : memref<4x8192xf32, #tpu.memory_space<vmem>>)
      %ge3A_301 = arith.constant 1 : i32
      %ge3A_302 = arith.cmpi sge, %add3A_294, %ge3A_301 : i32
      %convert_element_type3A_303 = arith.extui %ge3A_302 : i1 to i32
      %cond3A_304 = arith.constant 0 : i32
      %cond3A_305 = arith.cmpi ne, %convert_element_type3A_303, %cond3A_304 : i32
      scf.if %cond3A_305 {
        %add3A_362 = arith.constant 2 : i32
        %add3A_363 = arith.addi %add3A_294, %add3A_362 : i32
        %sub3A = arith.constant 3 : i32
        %sub3A_364 = arith.subi %add3A_363, %sub3A : i32
        %add3A_365 = arith.addi %mul3A_2, %sub3A_364 : i32
        %mul3A_366 = arith.constant 4 : i32
        %mul3A_367 = arith.muli %add3A_365, %mul3A_366 : i32
        %dma_wait3A_368 = arith.constant 0 : i32
        %dma_wait3A_369 = tpu.memref_slice %arg5[%mul3A_367, %dma_wait3A_368] : memref<4096x8192xf32, #tpu.memory_space<hbm>> -> memref<4x8192xf32, #tpu.memory_space<hbm>>
        %dma_wait3A_370 = arith.constant 0 : i32
        %dma_wait3A_371 = tpu.memref_slice %arg5[%mul3A_367, %dma_wait3A_370] : memref<4096x8192xf32, #tpu.memory_space<hbm>> -> memref<4x8192xf32, #tpu.memory_space<hbm>>
        tpu.wait_dma2 semaphore(%arg17 : memref<!tpu.dma_semaphore, #tpu.memory_space<semaphore_mem>>) src(%arg11 : memref<4x8192xf32, #tpu.memory_space<vmem>>) dst(%dma_wait3A_371 : memref<4x8192xf32, #tpu.memory_space<hbm>>)
      } else {
      }
      %add3A_306 = arith.constant 2 : i32
      %add3A_307 = arith.addi %add3A_294, %add3A_306 : i32
      %dma_start3A_308 = arith.constant 0 : i32
      %dma_start3A_309 = tpu.memref_slice %arg7[%add3A_307, %dma_start3A_308] : memref<32x4xi32, #tpu.memory_space<vmem>> -> memref<1x4xi32, #tpu.memory_space<vmem>>
      %dma_start3A_310 = tpu.memref_squeeze %dma_start3A_309 : memref<1x4xi32, #tpu.memory_space<vmem>> -> memref<4xi32, #tpu.memory_space<vmem>>
      %dma_start3A_311 = arith.constant 0 : i32
      %dma_start3A_312 = arith.constant 0 : i32
      %dma_start3A_313 = tpu.memref_slice %arg2[%dma_start3A_311, %dma_start3A_312] : memref<8192x8192xf32, #tpu.memory_space<hbm>> -> memref<8192x8192xf32, #tpu.memory_space<hbm>>
      tpu.enqueue_indirect_dma source(%dma_start3A_313 : memref<8192x8192xf32, #tpu.memory_space<hbm>>) target(%arg11 : memref<4x8192xf32, #tpu.memory_space<vmem>>) offsets(%dma_start3A_310 : memref<4xi32, #tpu.memory_space<vmem>>) semaphore(%arg14 : memref<!tpu.dma_semaphore, #tpu.memory_space<semaphore_mem>>)
      %add3A_314 = arith.addi %mul3A_2, %add3A_294 : i32
      %mul3A_315 = arith.constant 4 : i32
      %mul3A_316 = arith.muli %add3A_314, %mul3A_315 : i32
      %dma_start3A_317 = arith.constant 0 : i32
      %dma_start3A_318 = tpu.memref_slice %arg5[%mul3A_316, %dma_start3A_317] : memref<4096x8192xf32, #tpu.memory_space<hbm>> -> memref<4x8192xf32, #tpu.memory_space<hbm>>
      %dma_start3A_319 = arith.constant 0 : i32
      %dma_start3A_320 = tpu.memref_slice %arg5[%mul3A_316, %dma_start3A_319] : memref<4096x8192xf32, #tpu.memory_space<hbm>> -> memref<4x8192xf32, #tpu.memory_space<hbm>>
      tpu.enqueue_dma source(%arg12 : memref<4x8192xf32, #tpu.memory_space<vmem>>) target(%dma_start3A_320 : memref<4x8192xf32, #tpu.memory_space<hbm>>) target_semaphore(%arg18 : memref<!tpu.dma_semaphore, #tpu.memory_space<semaphore_mem>>)
      %broadcast_in_dim3A_321 = arith.constant 0.000000e+00 : f32
      %broadcast_in_dim3A_322 = vector.broadcast %broadcast_in_dim3A_321 : f32 to vector<16xf32>
      %scan3A_323 = arith.constant 0 : i32
      %scan3A_324 = arith.constant 512 : i32
      %scan3A_325 = arith.addi %scan3A_323, %scan3A_324 : i32
      %scan3A_326 = arith.constant 1 : i32
      %scan3A_327:4 = scf.for %scan3A_362 = %scan3A_323 to %scan3A_325 step %scan3A_326 iter_args(%scan3A_363 = %broadcast_in_dim3A_322, %scan3A_364 = %broadcast_in_dim3A_322, %scan3A_365 = %broadcast_in_dim3A_322, %scan3A_366 = %broadcast_in_dim3A_322) -> (vector<16xf32>, vector<16xf32>, vector<16xf32>, vector<16xf32>)  : i32 {
        %mul3A_367 = arith.constant 16 : i32
        %mul3A_368 = arith.muli %scan3A_362, %mul3A_367 : i32
        %get3A = arith.constant 0 : i32
        %get3A_369 = arith.index_cast %get3A : i32 to index
        %get3A_370 = arith.index_cast %mul3A_368 : i32 to index
        %get3A_371 = tpu.vector_load %arg12[%get3A_369, %get3A_370] {strides = array<i32>} : memref<4x8192xf32, #tpu.memory_space<vmem>>, vector<16xf32>,
        %exp3A = math.exp %get3A_371 : vector<16xf32>
        %add3A_372 = arith.addf %scan3A_363, %exp3A : vector<16xf32>
        %get3A_373 = arith.constant 1 : i32
        %get3A_374 = arith.index_cast %get3A_373 : i32 to index
        %get3A_375 = arith.index_cast %mul3A_368 : i32 to index
        %get3A_376 = tpu.vector_load %arg12[%get3A_374, %get3A_375] {strides = array<i32>} : memref<4x8192xf32, #tpu.memory_space<vmem>>, vector<16xf32>,
        %exp3A_377 = math.exp %get3A_376 : vector<16xf32>
        %add3A_378 = arith.addf %scan3A_364, %exp3A_377 : vector<16xf32>
        %get3A_379 = arith.constant 2 : i32
        %get3A_380 = arith.index_cast %get3A_379 : i32 to index
        %get3A_381 = arith.index_cast %mul3A_368 : i32 to index
        %get3A_382 = tpu.vector_load %arg12[%get3A_380, %get3A_381] {strides = array<i32>} : memref<4x8192xf32, #tpu.memory_space<vmem>>, vector<16xf32>,
        %exp3A_383 = math.exp %get3A_382 : vector<16xf32>
        %add3A_384 = arith.addf %scan3A_365, %exp3A_383 : vector<16xf32>
        %get3A_385 = arith.constant 3 : i32
        %get3A_386 = arith.index_cast %get3A_385 : i32 to index
        %get3A_387 = arith.index_cast %mul3A_368 : i32 to index
        %get3A_388 = tpu.vector_load %arg12[%get3A_386, %get3A_387] {strides = array<i32>} : memref<4x8192xf32, #tpu.memory_space<vmem>>, vector<16xf32>,
        %exp3A_389 = math.exp %get3A_388 : vector<16xf32>
        %add3A_390 = arith.addf %scan3A_366, %exp3A_389 : vector<16xf32>
        scf.yield %add3A_372, %add3A_378, %add3A_384, %add3A_390 : vector<16xf32>, vector<16xf32>, vector<16xf32>, vector<16xf32>
      }
      %scan3A_328 = arith.constant 512 : i32
      %swap3A_329 = arith.constant 0 : i32
      %swap3A_330 = arith.index_cast %swap3A_329 : i32 to index
      %swap3A_331 = arith.constant 0 : index
      %swap3A_332 = tpu.vector_load %arg9[%swap3A_330, %swap3A_331] {strides = array<i32>} : memref<5x16xf32, #tpu.memory_space<vmem>>, vector<16xf32>,
      tpu.vector_store %arg9[%swap3A_330, %swap3A_331], %scan3A_327#0 {strides = array<i32>} : memref<5x16xf32, #tpu.memory_space<vmem>>, vector<16xf32>,
      %swap3A_333 = arith.constant 1 : i32
      %swap3A_334 = arith.index_cast %swap3A_333 : i32 to index
      %swap3A_335 = arith.constant 0 : index
      %swap3A_336 = tpu.vector_load %arg9[%swap3A_334, %swap3A_335] {strides = array<i32>} : memref<5x16xf32, #tpu.memory_space<vmem>>, vector<16xf32>,
      tpu.vector_store %arg9[%swap3A_334, %swap3A_335], %scan3A_327#1 {strides = array<i32>} : memref<5x16xf32, #tpu.memory_space<vmem>>, vector<16xf32>,
      %swap3A_337 = arith.constant 2 : i32
      %swap3A_338 = arith.index_cast %swap3A_337 : i32 to index
      %swap3A_339 = arith.constant 0 : index
      %swap3A_340 = tpu.vector_load %arg9[%swap3A_338, %swap3A_339] {strides = array<i32>} : memref<5x16xf32, #tpu.memory_space<vmem>>, vector<16xf32>,
      tpu.vector_store %arg9[%swap3A_338, %swap3A_339], %scan3A_327#2 {strides = array<i32>} : memref<5x16xf32, #tpu.memory_space<vmem>>, vector<16xf32>,
      %swap3A_341 = arith.constant 3 : i32
      %swap3A_342 = arith.index_cast %swap3A_341 : i32 to index
      %swap3A_343 = arith.constant 0 : index
      %swap3A_344 = tpu.vector_load %arg9[%swap3A_342, %swap3A_343] {strides = array<i32>} : memref<5x16xf32, #tpu.memory_space<vmem>>, vector<16xf32>,
      tpu.vector_store %arg9[%swap3A_342, %swap3A_343], %scan3A_327#3 {strides = array<i32>} : memref<5x16xf32, #tpu.memory_space<vmem>>, vector<16xf32>,
      %mul3A_345 = arith.constant 4 : i32
      %mul3A_346 = arith.muli %add3A_294, %mul3A_345 : i32
      %jit3A_347 = arith.constant 0 : i32
      %broadcast_in_dim3A_348 = vector.broadcast %jit3A_347 : i32 to vector<16xi32>
      %select_n3A_349 = arith.select %lt3A_6, %iota3A, %broadcast_in_dim3A_348 : vector<16xi1>, vector<16xi32>
      %add3A_350 = vector.broadcast %mul3A_346 : i32 to vector<16xi32>
      %add3A_351 = arith.addi %add3A_350, %select_n3A_349 : vector<16xi32>
      %gather3A_352 = tpu.vector_load_idx %arg8[%add3A_351] masked %lt3A_6 : memref<128xi32, #tpu.memory_space<vmem>>[vector<16xi32>], vector<16xi32>, vector<16xi1>
      %gather3A_353 = tpu.vector_load_idx %arg12[%iota3A, %gather3A_352] masked %lt3A_6 : memref<4x8192xf32, #tpu.memory_space<vmem>>[vector<16xi32>, vector<16xi32>], vector<16xf32>, vector<16xi1>
      %jit3A_354 = arith.constant 0.000000e+00 : f32
      %broadcast_in_dim3A_355 = vector.broadcast %jit3A_354 : f32 to vector<16xf32>
      %select_n3A_356 = arith.select %lt3A_6, %gather3A_353, %broadcast_in_dim3A_355 : vector<16xi1>, vector<16xf32>
      %swap3A_357 = arith.constant 4 : i32
      %swap3A_358 = arith.index_cast %swap3A_357 : i32 to index
      %swap3A_359 = arith.constant 0 : index
      %swap3A_360 = tpu.vector_load %arg9[%swap3A_358, %swap3A_359] {strides = array<i32>} : memref<5x16xf32, #tpu.memory_space<vmem>>, vector<16xf32>,
      tpu.vector_store %arg9[%swap3A_358, %swap3A_359], %select_n3A_356 {strides = array<i32>} : memref<5x16xf32, #tpu.memory_space<vmem>>, vector<16xf32>,
      %add3A_361 = arith.addi %mul3A_2, %add3A_294 : i32
      "tpu.region"() ({
        %run_scoped3A = tpu.sem_alloc : memref<!tpu.dma_semaphore, #tpu.memory_space<semaphore_mem>>
        %dma_start3A_362 = arith.constant 0 : i32
        %dma_start3A_363 = arith.constant 0 : i32
        %dma_start3A_364 = tpu.memref_slice %arg6[%add3A_361, %dma_start3A_362, %dma_start3A_363] : memref<1024x5x16xf32, #tpu.memory_space<hbm>> -> memref<1x5x16xf32, #tpu.memory_space<hbm>>
        %dma_start3A_365 = tpu.memref_squeeze %dma_start3A_364 : memref<1x5x16xf32, #tpu.memory_space<hbm>> -> memref<5x16xf32, #tpu.memory_space<hbm>>
        %dma_start3A_366 = arith.constant 0 : i32
        %dma_start3A_367 = arith.constant 0 : i32
        %dma_start3A_368 = tpu.memref_slice %arg6[%add3A_361, %dma_start3A_366, %dma_start3A_367] : memref<1024x5x16xf32, #tpu.memory_space<hbm>> -> memref<1x5x16xf32, #tpu.memory_space<hbm>>
        %dma_start3A_369 = tpu.memref_squeeze %dma_start3A_368 : memref<1x5x16xf32, #tpu.memory_space<hbm>> -> memref<5x16xf32, #tpu.memory_space<hbm>>
        tpu.enqueue_dma source(%arg9 : memref<5x16xf32, #tpu.memory_space<vmem>>) target(%dma_start3A_369 : memref<5x16xf32, #tpu.memory_space<hbm>>) target_semaphore(%run_scoped3A : memref<!tpu.dma_semaphore, #tpu.memory_space<semaphore_mem>>)
        %dma_wait3A_370 = arith.constant 0 : i32
        %dma_wait3A_371 = arith.constant 0 : i32
        %dma_wait3A_372 = tpu.memref_slice %arg6[%add3A_361, %dma_wait3A_370, %dma_wait3A_371] : memref<1024x5x16xf32, #tpu.memory_space<hbm>> -> memref<1x5x16xf32, #tpu.memory_space<hbm>>
        %dma_wait3A_373 = tpu.memref_squeeze %dma_wait3A_372 : memref<1x5x16xf32, #tpu.memory_space<hbm>> -> memref<5x16xf32, #tpu.memory_space<hbm>>
        %dma_wait3A_374 = arith.constant 0 : i32
        %dma_wait3A_375 = arith.constant 0 : i32
        %dma_wait3A_376 = tpu.memref_slice %arg6[%add3A_361, %dma_wait3A_374, %dma_wait3A_375] : memref<1024x5x16xf32, #tpu.memory_space<hbm>> -> memref<1x5x16xf32, #tpu.memory_space<hbm>>
        %dma_wait3A_377 = tpu.memref_squeeze %dma_wait3A_376 : memref<1x5x16xf32, #tpu.memory_space<hbm>> -> memref<5x16xf32, #tpu.memory_space<hbm>>
        tpu.wait_dma2 semaphore(%run_scoped3A : memref<!tpu.dma_semaphore, #tpu.memory_space<semaphore_mem>>) src(%arg9 : memref<5x16xf32, #tpu.memory_space<vmem>>) dst(%dma_wait3A_377 : memref<5x16xf32, #tpu.memory_space<hbm>>)
        tpu.yield
      }) : () -> ()
    }
    %scan3A_24 = arith.constant 10 : i32
    %dma_wait3A = arith.constant 30 : i32
    %dma_wait3A_25 = arith.constant 0 : i32
    %dma_wait3A_26 = tpu.memref_slice %arg7[%dma_wait3A, %dma_wait3A_25] : memref<32x4xi32, #tpu.memory_space<vmem>> -> memref<1x4xi32, #tpu.memory_space<vmem>>
    %dma_wait3A_27 = tpu.memref_squeeze %dma_wait3A_26 : memref<1x4xi32, #tpu.memory_space<vmem>> -> memref<4xi32, #tpu.memory_space<vmem>>
    %dma_wait3A_28 = arith.constant 0 : i32
    %dma_wait3A_29 = arith.constant 0 : i32
    %dma_wait3A_30 = tpu.memref_slice %arg2[%dma_wait3A_28, %dma_wait3A_29] : memref<8192x8192xf32, #tpu.memory_space<hbm>> -> memref<8192x8192xf32, #tpu.memory_space<hbm>>
    tpu.wait_indirect_dma semaphore(%arg13 : memref<!tpu.dma_semaphore, #tpu.memory_space<semaphore_mem>>) src(%dma_wait3A_30 : memref<8192x8192xf32, #tpu.memory_space<hbm>>) dst(%arg10 : memref<4x8192xf32, #tpu.memory_space<vmem>>)
    %add3A_31 = arith.constant 30 : i32
    %add3A_32 = arith.addi %mul3A_2, %add3A_31 : i32
    %mul3A_33 = arith.constant 4 : i32
    %mul3A_34 = arith.muli %add3A_32, %mul3A_33 : i32
    %dma_start3A_35 = arith.constant 0 : i32
    %dma_start3A_36 = tpu.memref_slice %arg5[%mul3A_34, %dma_start3A_35] : memref<4096x8192xf32, #tpu.memory_space<hbm>> -> memref<4x8192xf32, #tpu.memory_space<hbm>>
    %dma_start3A_37 = arith.constant 0 : i32
    %dma_start3A_38 = tpu.memref_slice %arg5[%mul3A_34, %dma_start3A_37] : memref<4096x8192xf32, #tpu.memory_space<hbm>> -> memref<4x8192xf32, #tpu.memory_space<hbm>>
    tpu.enqueue_dma source(%arg10 : memref<4x8192xf32, #tpu.memory_space<vmem>>) target(%dma_start3A_38 : memref<4x8192xf32, #tpu.memory_space<hbm>>) target_semaphore(%arg16 : memref<!tpu.dma_semaphore, #tpu.memory_space<semaphore_mem>>)
    %broadcast_in_dim3A = arith.constant 0.000000e+00 : f32
    %broadcast_in_dim3A_39 = vector.broadcast %broadcast_in_dim3A : f32 to vector<16xf32>
    %scan3A_40 = arith.constant 0 : i32
    %scan3A_41 = arith.constant 512 : i32
    %scan3A_42 = arith.addi %scan3A_40, %scan3A_41 : i32
    %scan3A_43 = arith.constant 1 : i32
    %scan3A_44:4 = scf.for %scan3A_155 = %scan3A_40 to %scan3A_42 step %scan3A_43 iter_args(%scan3A_156 = %broadcast_in_dim3A_39, %scan3A_157 = %broadcast_in_dim3A_39, %scan3A_158 = %broadcast_in_dim3A_39, %scan3A_159 = %broadcast_in_dim3A_39) -> (vector<16xf32>, vector<16xf32>, vector<16xf32>, vector<16xf32>)  : i32 {
      %mul3A_160 = arith.constant 16 : i32
      %mul3A_161 = arith.muli %scan3A_155, %mul3A_160 : i32
      %get3A = arith.constant 0 : i32
      %get3A_162 = arith.index_cast %get3A : i32 to index
      %get3A_163 = arith.index_cast %mul3A_161 : i32 to index
      %get3A_164 = tpu.vector_load %arg10[%get3A_162, %get3A_163] {strides = array<i32>} : memref<4x8192xf32, #tpu.memory_space<vmem>>, vector<16xf32>,
      %exp3A = math.exp %get3A_164 : vector<16xf32>
      %add3A_165 = arith.addf %scan3A_156, %exp3A : vector<16xf32>
      %get3A_166 = arith.constant 1 : i32
      %get3A_167 = arith.index_cast %get3A_166 : i32 to index
      %get3A_168 = arith.index_cast %mul3A_161 : i32 to index
      %get3A_169 = tpu.vector_load %arg10[%get3A_167, %get3A_168] {strides = array<i32>} : memref<4x8192xf32, #tpu.memory_space<vmem>>, vector<16xf32>,
      %exp3A_170 = math.exp %get3A_169 : vector<16xf32>
      %add3A_171 = arith.addf %scan3A_157, %exp3A_170 : vector<16xf32>
      %get3A_172 = arith.constant 2 : i32
      %get3A_173 = arith.index_cast %get3A_172 : i32 to index
      %get3A_174 = arith.index_cast %mul3A_161 : i32 to index
      %get3A_175 = tpu.vector_load %arg10[%get3A_173, %get3A_174] {strides = array<i32>} : memref<4x8192xf32, #tpu.memory_space<vmem>>, vector<16xf32>,
      %exp3A_176 = math.exp %get3A_175 : vector<16xf32>
      %add3A_177 = arith.addf %scan3A_158, %exp3A_176 : vector<16xf32>
      %get3A_178 = arith.constant 3 : i32
      %get3A_179 = arith.index_cast %get3A_178 : i32 to index
      %get3A_180 = arith.index_cast %mul3A_161 : i32 to index
      %get3A_181 = tpu.vector_load %arg10[%get3A_179, %get3A_180] {strides = array<i32>} : memref<4x8192xf32, #tpu.memory_space<vmem>>, vector<16xf32>,
      %exp3A_182 = math.exp %get3A_181 : vector<16xf32>
      %add3A_183 = arith.addf %scan3A_159, %exp3A_182 : vector<16xf32>
      scf.yield %add3A_165, %add3A_171, %add3A_177, %add3A_183 : vector<16xf32>, vector<16xf32>, vector<16xf32>, vector<16xf32>
    }
    %scan3A_45 = arith.constant 512 : i32
    %swap3A = arith.constant 0 : i32
    %swap3A_46 = arith.index_cast %swap3A : i32 to index
    %swap3A_47 = arith.constant 0 : index
    %swap3A_48 = tpu.vector_load %arg9[%swap3A_46, %swap3A_47] {strides = array<i32>} : memref<5x16xf32, #tpu.memory_space<vmem>>, vector<16xf32>,
    tpu.vector_store %arg9[%swap3A_46, %swap3A_47], %scan3A_44#0 {strides = array<i32>} : memref<5x16xf32, #tpu.memory_space<vmem>>, vector<16xf32>,
    %swap3A_49 = arith.constant 1 : i32
    %swap3A_50 = arith.index_cast %swap3A_49 : i32 to index
    %swap3A_51 = arith.constant 0 : index
    %swap3A_52 = tpu.vector_load %arg9[%swap3A_50, %swap3A_51] {strides = array<i32>} : memref<5x16xf32, #tpu.memory_space<vmem>>, vector<16xf32>,
    tpu.vector_store %arg9[%swap3A_50, %swap3A_51], %scan3A_44#1 {strides = array<i32>} : memref<5x16xf32, #tpu.memory_space<vmem>>, vector<16xf32>,
    %swap3A_53 = arith.constant 2 : i32
    %swap3A_54 = arith.index_cast %swap3A_53 : i32 to index
    %swap3A_55 = arith.constant 0 : index
    %swap3A_56 = tpu.vector_load %arg9[%swap3A_54, %swap3A_55] {strides = array<i32>} : memref<5x16xf32, #tpu.memory_space<vmem>>, vector<16xf32>,
    tpu.vector_store %arg9[%swap3A_54, %swap3A_55], %scan3A_44#2 {strides = array<i32>} : memref<5x16xf32, #tpu.memory_space<vmem>>, vector<16xf32>,
    %swap3A_57 = arith.constant 3 : i32
    %swap3A_58 = arith.index_cast %swap3A_57 : i32 to index
    %swap3A_59 = arith.constant 0 : index
    %swap3A_60 = tpu.vector_load %arg9[%swap3A_58, %swap3A_59] {strides = array<i32>} : memref<5x16xf32, #tpu.memory_space<vmem>>, vector<16xf32>,
    tpu.vector_store %arg9[%swap3A_58, %swap3A_59], %scan3A_44#3 {strides = array<i32>} : memref<5x16xf32, #tpu.memory_space<vmem>>, vector<16xf32>,
    %jit3A = arith.constant 0 : i32
    %broadcast_in_dim3A_61 = vector.broadcast %jit3A : i32 to vector<16xi32>
    %select_n3A = arith.select %lt3A_6, %iota3A, %broadcast_in_dim3A_61 : vector<16xi1>, vector<16xi32>
    %add3A_62 = arith.constant 120 : i32
    %add3A_63 = vector.broadcast %add3A_62 : i32 to vector<16xi32>
    %add3A_64 = arith.addi %add3A_63, %select_n3A : vector<16xi32>
    %gather3A = tpu.vector_load_idx %arg8[%add3A_64] masked %lt3A_6 : memref<128xi32, #tpu.memory_space<vmem>>[vector<16xi32>], vector<16xi32>, vector<16xi1>
    %gather3A_65 = tpu.vector_load_idx %arg10[%iota3A, %gather3A] masked %lt3A_6 : memref<4x8192xf32, #tpu.memory_space<vmem>>[vector<16xi32>, vector<16xi32>], vector<16xf32>, vector<16xi1>
    %jit3A_66 = arith.constant 0.000000e+00 : f32
    %broadcast_in_dim3A_67 = vector.broadcast %jit3A_66 : f32 to vector<16xf32>
    %select_n3A_68 = arith.select %lt3A_6, %gather3A_65, %broadcast_in_dim3A_67 : vector<16xi1>, vector<16xf32>
    %swap3A_69 = arith.constant 4 : i32
    %swap3A_70 = arith.index_cast %swap3A_69 : i32 to index
    %swap3A_71 = arith.constant 0 : index
    %swap3A_72 = tpu.vector_load %arg9[%swap3A_70, %swap3A_71] {strides = array<i32>} : memref<5x16xf32, #tpu.memory_space<vmem>>, vector<16xf32>,
    tpu.vector_store %arg9[%swap3A_70, %swap3A_71], %select_n3A_68 {strides = array<i32>} : memref<5x16xf32, #tpu.memory_space<vmem>>, vector<16xf32>,
    %add3A_73 = arith.constant 30 : i32
    %add3A_74 = arith.addi %mul3A_2, %add3A_73 : i32
    "tpu.region"() ({
      %run_scoped3A = tpu.sem_alloc : memref<!tpu.dma_semaphore, #tpu.memory_space<semaphore_mem>>
      %dma_start3A_155 = arith.constant 0 : i32
      %dma_start3A_156 = arith.constant 0 : i32
      %dma_start3A_157 = tpu.memref_slice %arg6[%add3A_74, %dma_start3A_155, %dma_start3A_156] : memref<1024x5x16xf32, #tpu.memory_space<hbm>> -> memref<1x5x16xf32, #tpu.memory_space<hbm>>
      %dma_start3A_158 = tpu.memref_squeeze %dma_start3A_157 : memref<1x5x16xf32, #tpu.memory_space<hbm>> -> memref<5x16xf32, #tpu.memory_space<hbm>>
      %dma_start3A_159 = arith.constant 0 : i32
      %dma_start3A_160 = arith.constant 0 : i32
      %dma_start3A_161 = tpu.memref_slice %arg6[%add3A_74, %dma_start3A_159, %dma_start3A_160] : memref<1024x5x16xf32, #tpu.memory_space<hbm>> -> memref<1x5x16xf32, #tpu.memory_space<hbm>>
      %dma_start3A_162 = tpu.memref_squeeze %dma_start3A_161 : memref<1x5x16xf32, #tpu.memory_space<hbm>> -> memref<5x16xf32, #tpu.memory_space<hbm>>
      tpu.enqueue_dma source(%arg9 : memref<5x16xf32, #tpu.memory_space<vmem>>) target(%dma_start3A_162 : memref<5x16xf32, #tpu.memory_space<hbm>>) target_semaphore(%run_scoped3A : memref<!tpu.dma_semaphore, #tpu.memory_space<semaphore_mem>>)
      %dma_wait3A_163 = arith.constant 0 : i32
      %dma_wait3A_164 = arith.constant 0 : i32
      %dma_wait3A_165 = tpu.memref_slice %arg6[%add3A_74, %dma_wait3A_163, %dma_wait3A_164] : memref<1024x5x16xf32, #tpu.memory_space<hbm>> -> memref<1x5x16xf32, #tpu.memory_space<hbm>>
      %dma_wait3A_166 = tpu.memref_squeeze %dma_wait3A_165 : memref<1x5x16xf32, #tpu.memory_space<hbm>> -> memref<5x16xf32, #tpu.memory_space<hbm>>
      %dma_wait3A_167 = arith.constant 0 : i32
      %dma_wait3A_168 = arith.constant 0 : i32
      %dma_wait3A_169 = tpu.memref_slice %arg6[%add3A_74, %dma_wait3A_167, %dma_wait3A_168] : memref<1024x5x16xf32, #tpu.memory_space<hbm>> -> memref<1x5x16xf32, #tpu.memory_space<hbm>>
      %dma_wait3A_170 = tpu.memref_squeeze %dma_wait3A_169 : memref<1x5x16xf32, #tpu.memory_space<hbm>> -> memref<5x16xf32, #tpu.memory_space<hbm>>
      tpu.wait_dma2 semaphore(%run_scoped3A : memref<!tpu.dma_semaphore, #tpu.memory_space<semaphore_mem>>) src(%arg9 : memref<5x16xf32, #tpu.memory_space<vmem>>) dst(%dma_wait3A_170 : memref<5x16xf32, #tpu.memory_space<hbm>>)
      tpu.yield
    }) : () -> ()
    %dma_wait3A_75 = arith.constant 31 : i32
    %dma_wait3A_76 = arith.constant 0 : i32
    %dma_wait3A_77 = tpu.memref_slice %arg7[%dma_wait3A_75, %dma_wait3A_76] : memref<32x4xi32, #tpu.memory_space<vmem>> -> memref<1x4xi32, #tpu.memory_space<vmem>>
    %dma_wait3A_78 = tpu.memref_squeeze %dma_wait3A_77 : memref<1x4xi32, #tpu.memory_space<vmem>> -> memref<4xi32, #tpu.memory_space<vmem>>
    %dma_wait3A_79 = arith.constant 0 : i32
    %dma_wait3A_80 = arith.constant 0 : i32
    %dma_wait3A_81 = tpu.memref_slice %arg2[%dma_wait3A_79, %dma_wait3A_80] : memref<8192x8192xf32, #tpu.memory_space<hbm>> -> memref<8192x8192xf32, #tpu.memory_space<hbm>>
    tpu.wait_indirect_dma semaphore(%arg14 : memref<!tpu.dma_semaphore, #tpu.memory_space<semaphore_mem>>) src(%dma_wait3A_81 : memref<8192x8192xf32, #tpu.memory_space<hbm>>) dst(%arg11 : memref<4x8192xf32, #tpu.memory_space<vmem>>)
    %add3A_82 = arith.constant 31 : i32
    %add3A_83 = arith.addi %mul3A_2, %add3A_82 : i32
    %mul3A_84 = arith.constant 4 : i32
    %mul3A_85 = arith.muli %add3A_83, %mul3A_84 : i32
    %dma_start3A_86 = arith.constant 0 : i32
    %dma_start3A_87 = tpu.memref_slice %arg5[%mul3A_85, %dma_start3A_86] : memref<4096x8192xf32, #tpu.memory_space<hbm>> -> memref<4x8192xf32, #tpu.memory_space<hbm>>
    %dma_start3A_88 = arith.constant 0 : i32
    %dma_start3A_89 = tpu.memref_slice %arg5[%mul3A_85, %dma_start3A_88] : memref<4096x8192xf32, #tpu.memory_space<hbm>> -> memref<4x8192xf32, #tpu.memory_space<hbm>>
    tpu.enqueue_dma source(%arg11 : memref<4x8192xf32, #tpu.memory_space<vmem>>) target(%dma_start3A_89 : memref<4x8192xf32, #tpu.memory_space<hbm>>) target_semaphore(%arg17 : memref<!tpu.dma_semaphore, #tpu.memory_space<semaphore_mem>>)
    %broadcast_in_dim3A_90 = arith.constant 0.000000e+00 : f32
    %broadcast_in_dim3A_91 = vector.broadcast %broadcast_in_dim3A_90 : f32 to vector<16xf32>
    %scan3A_92 = arith.constant 0 : i32
    %scan3A_93 = arith.constant 512 : i32
    %scan3A_94 = arith.addi %scan3A_92, %scan3A_93 : i32
    %scan3A_95 = arith.constant 1 : i32
    %scan3A_96:4 = scf.for %scan3A_155 = %scan3A_92 to %scan3A_94 step %scan3A_95 iter_args(%scan3A_156 = %broadcast_in_dim3A_91, %scan3A_157 = %broadcast_in_dim3A_91, %scan3A_158 = %broadcast_in_dim3A_91, %scan3A_159 = %broadcast_in_dim3A_91) -> (vector<16xf32>, vector<16xf32>, vector<16xf32>, vector<16xf32>)  : i32 {
      %mul3A_160 = arith.constant 16 : i32
      %mul3A_161 = arith.muli %scan3A_155, %mul3A_160 : i32
      %get3A = arith.constant 0 : i32
      %get3A_162 = arith.index_cast %get3A : i32 to index
      %get3A_163 = arith.index_cast %mul3A_161 : i32 to index
      %get3A_164 = tpu.vector_load %arg11[%get3A_162, %get3A_163] {strides = array<i32>} : memref<4x8192xf32, #tpu.memory_space<vmem>>, vector<16xf32>,
      %exp3A = math.exp %get3A_164 : vector<16xf32>
      %add3A_165 = arith.addf %scan3A_156, %exp3A : vector<16xf32>
      %get3A_166 = arith.constant 1 : i32
      %get3A_167 = arith.index_cast %get3A_166 : i32 to index
      %get3A_168 = arith.index_cast %mul3A_161 : i32 to index
      %get3A_169 = tpu.vector_load %arg11[%get3A_167, %get3A_168] {strides = array<i32>} : memref<4x8192xf32, #tpu.memory_space<vmem>>, vector<16xf32>,
      %exp3A_170 = math.exp %get3A_169 : vector<16xf32>
      %add3A_171 = arith.addf %scan3A_157, %exp3A_170 : vector<16xf32>
      %get3A_172 = arith.constant 2 : i32
      %get3A_173 = arith.index_cast %get3A_172 : i32 to index
      %get3A_174 = arith.index_cast %mul3A_161 : i32 to index
      %get3A_175 = tpu.vector_load %arg11[%get3A_173, %get3A_174] {strides = array<i32>} : memref<4x8192xf32, #tpu.memory_space<vmem>>, vector<16xf32>,
      %exp3A_176 = math.exp %get3A_175 : vector<16xf32>
      %add3A_177 = arith.addf %scan3A_158, %exp3A_176 : vector<16xf32>
      %get3A_178 = arith.constant 3 : i32
      %get3A_179 = arith.index_cast %get3A_178 : i32 to index
      %get3A_180 = arith.index_cast %mul3A_161 : i32 to index
      %get3A_181 = tpu.vector_load %arg11[%get3A_179, %get3A_180] {strides = array<i32>} : memref<4x8192xf32, #tpu.memory_space<vmem>>, vector<16xf32>,
      %exp3A_182 = math.exp %get3A_181 : vector<16xf32>
      %add3A_183 = arith.addf %scan3A_159, %exp3A_182 : vector<16xf32>
      scf.yield %add3A_165, %add3A_171, %add3A_177, %add3A_183 : vector<16xf32>, vector<16xf32>, vector<16xf32>, vector<16xf32>
    }
    %scan3A_97 = arith.constant 512 : i32
    %swap3A_98 = arith.constant 0 : i32
    %swap3A_99 = arith.index_cast %swap3A_98 : i32 to index
    %swap3A_100 = arith.constant 0 : index
    %swap3A_101 = tpu.vector_load %arg9[%swap3A_99, %swap3A_100] {strides = array<i32>} : memref<5x16xf32, #tpu.memory_space<vmem>>, vector<16xf32>,
    tpu.vector_store %arg9[%swap3A_99, %swap3A_100], %scan3A_96#0 {strides = array<i32>} : memref<5x16xf32, #tpu.memory_space<vmem>>, vector<16xf32>,
    %swap3A_102 = arith.constant 1 : i32
    %swap3A_103 = arith.index_cast %swap3A_102 : i32 to index
    %swap3A_104 = arith.constant 0 : index
    %swap3A_105 = tpu.vector_load %arg9[%swap3A_103, %swap3A_104] {strides = array<i32>} : memref<5x16xf32, #tpu.memory_space<vmem>>, vector<16xf32>,
    tpu.vector_store %arg9[%swap3A_103, %swap3A_104], %scan3A_96#1 {strides = array<i32>} : memref<5x16xf32, #tpu.memory_space<vmem>>, vector<16xf32>,
    %swap3A_106 = arith.constant 2 : i32
    %swap3A_107 = arith.index_cast %swap3A_106 : i32 to index
    %swap3A_108 = arith.constant 0 : index
    %swap3A_109 = tpu.vector_load %arg9[%swap3A_107, %swap3A_108] {strides = array<i32>} : memref<5x16xf32, #tpu.memory_space<vmem>>, vector<16xf32>,
    tpu.vector_store %arg9[%swap3A_107, %swap3A_108], %scan3A_96#2 {strides = array<i32>} : memref<5x16xf32, #tpu.memory_space<vmem>>, vector<16xf32>,
    %swap3A_110 = arith.constant 3 : i32
    %swap3A_111 = arith.index_cast %swap3A_110 : i32 to index
    %swap3A_112 = arith.constant 0 : index
    %swap3A_113 = tpu.vector_load %arg9[%swap3A_111, %swap3A_112] {strides = array<i32>} : memref<5x16xf32, #tpu.memory_space<vmem>>, vector<16xf32>,
    tpu.vector_store %arg9[%swap3A_111, %swap3A_112], %scan3A_96#3 {strides = array<i32>} : memref<5x16xf32, #tpu.memory_space<vmem>>, vector<16xf32>,
    %jit3A_114 = arith.constant 0 : i32
    %broadcast_in_dim3A_115 = vector.broadcast %jit3A_114 : i32 to vector<16xi32>
    %select_n3A_116 = arith.select %lt3A_6, %iota3A, %broadcast_in_dim3A_115 : vector<16xi1>, vector<16xi32>
    %add3A_117 = arith.constant 124 : i32
    %add3A_118 = vector.broadcast %add3A_117 : i32 to vector<16xi32>
    %add3A_119 = arith.addi %add3A_118, %select_n3A_116 : vector<16xi32>
    %gather3A_120 = tpu.vector_load_idx %arg8[%add3A_119] masked %lt3A_6 : memref<128xi32, #tpu.memory_space<vmem>>[vector<16xi32>], vector<16xi32>, vector<16xi1>
    %gather3A_121 = tpu.vector_load_idx %arg11[%iota3A, %gather3A_120] masked %lt3A_6 : memref<4x8192xf32, #tpu.memory_space<vmem>>[vector<16xi32>, vector<16xi32>], vector<16xf32>, vector<16xi1>
    %jit3A_122 = arith.constant 0.000000e+00 : f32
    %broadcast_in_dim3A_123 = vector.broadcast %jit3A_122 : f32 to vector<16xf32>
    %select_n3A_124 = arith.select %lt3A_6, %gather3A_121, %broadcast_in_dim3A_123 : vector<16xi1>, vector<16xf32>
    %swap3A_125 = arith.constant 4 : i32
    %swap3A_126 = arith.index_cast %swap3A_125 : i32 to index
    %swap3A_127 = arith.constant 0 : index
    %swap3A_128 = tpu.vector_load %arg9[%swap3A_126, %swap3A_127] {strides = array<i32>} : memref<5x16xf32, #tpu.memory_space<vmem>>, vector<16xf32>,
    tpu.vector_store %arg9[%swap3A_126, %swap3A_127], %select_n3A_124 {strides = array<i32>} : memref<5x16xf32, #tpu.memory_space<vmem>>, vector<16xf32>,
    %add3A_129 = arith.constant 31 : i32
    %add3A_130 = arith.addi %mul3A_2, %add3A_129 : i32
    "tpu.region"() ({
      %run_scoped3A = tpu.sem_alloc : memref<!tpu.dma_semaphore, #tpu.memory_space<semaphore_mem>>
      %dma_start3A_155 = arith.constant 0 : i32
      %dma_start3A_156 = arith.constant 0 : i32
      %dma_start3A_157 = tpu.memref_slice %arg6[%add3A_130, %dma_start3A_155, %dma_start3A_156] : memref<1024x5x16xf32, #tpu.memory_space<hbm>> -> memref<1x5x16xf32, #tpu.memory_space<hbm>>
      %dma_start3A_158 = tpu.memref_squeeze %dma_start3A_157 : memref<1x5x16xf32, #tpu.memory_space<hbm>> -> memref<5x16xf32, #tpu.memory_space<hbm>>
      %dma_start3A_159 = arith.constant 0 : i32
      %dma_start3A_160 = arith.constant 0 : i32
      %dma_start3A_161 = tpu.memref_slice %arg6[%add3A_130, %dma_start3A_159, %dma_start3A_160] : memref<1024x5x16xf32, #tpu.memory_space<hbm>> -> memref<1x5x16xf32, #tpu.memory_space<hbm>>
      %dma_start3A_162 = tpu.memref_squeeze %dma_start3A_161 : memref<1x5x16xf32, #tpu.memory_space<hbm>> -> memref<5x16xf32, #tpu.memory_space<hbm>>
      tpu.enqueue_dma source(%arg9 : memref<5x16xf32, #tpu.memory_space<vmem>>) target(%dma_start3A_162 : memref<5x16xf32, #tpu.memory_space<hbm>>) target_semaphore(%run_scoped3A : memref<!tpu.dma_semaphore, #tpu.memory_space<semaphore_mem>>)
      %dma_wait3A_163 = arith.constant 0 : i32
      %dma_wait3A_164 = arith.constant 0 : i32
      %dma_wait3A_165 = tpu.memref_slice %arg6[%add3A_130, %dma_wait3A_163, %dma_wait3A_164] : memref<1024x5x16xf32, #tpu.memory_space<hbm>> -> memref<1x5x16xf32, #tpu.memory_space<hbm>>
      %dma_wait3A_166 = tpu.memref_squeeze %dma_wait3A_165 : memref<1x5x16xf32, #tpu.memory_space<hbm>> -> memref<5x16xf32, #tpu.memory_space<hbm>>
      %dma_wait3A_167 = arith.constant 0 : i32
      %dma_wait3A_168 = arith.constant 0 : i32
      %dma_wait3A_169 = tpu.memref_slice %arg6[%add3A_130, %dma_wait3A_167, %dma_wait3A_168] : memref<1024x5x16xf32, #tpu.memory_space<hbm>> -> memref<1x5x16xf32, #tpu.memory_space<hbm>>
      %dma_wait3A_170 = tpu.memref_squeeze %dma_wait3A_169 : memref<1x5x16xf32, #tpu.memory_space<hbm>> -> memref<5x16xf32, #tpu.memory_space<hbm>>
      tpu.wait_dma2 semaphore(%run_scoped3A : memref<!tpu.dma_semaphore, #tpu.memory_space<semaphore_mem>>) src(%arg9 : memref<5x16xf32, #tpu.memory_space<vmem>>) dst(%dma_wait3A_170 : memref<5x16xf32, #tpu.memory_space<hbm>>)
      tpu.yield
    }) : () -> ()
    %add3A_131 = arith.constant 29 : i32
    %add3A_132 = arith.addi %mul3A_2, %add3A_131 : i32
    %mul3A_133 = arith.constant 4 : i32
    %mul3A_134 = arith.muli %add3A_132, %mul3A_133 : i32
    %dma_wait3A_135 = arith.constant 0 : i32
    %dma_wait3A_136 = tpu.memref_slice %arg5[%mul3A_134, %dma_wait3A_135] : memref<4096x8192xf32, #tpu.memory_space<hbm>> -> memref<4x8192xf32, #tpu.memory_space<hbm>>
    %dma_wait3A_137 = arith.constant 0 : i32
    %dma_wait3A_138 = tpu.memref_slice %arg5[%mul3A_134, %dma_wait3A_137] : memref<4096x8192xf32, #tpu.memory_space<hbm>> -> memref<4x8192xf32, #tpu.memory_space<hbm>>
    tpu.wait_dma2 semaphore(%arg18 : memref<!tpu.dma_semaphore, #tpu.memory_space<semaphore_mem>>) src(%arg12 : memref<4x8192xf32, #tpu.memory_space<vmem>>) dst(%dma_wait3A_138 : memref<4x8192xf32, #tpu.memory_space<hbm>>)
    %add3A_139 = arith.constant 30 : i32
    %add3A_140 = arith.addi %mul3A_2, %add3A_139 : i32
    %mul3A_141 = arith.constant 4 : i32
    %mul3A_142 = arith.muli %add3A_140, %mul3A_141 : i32
    %dma_wait3A_143 = arith.constant 0 : i32
    %dma_wait3A_144 = tpu.memref_slice %arg5[%mul3A_142, %dma_wait3A_143] : memref<4096x8192xf32, #tpu.memory_space<hbm>> -> memref<4x8192xf32, #tpu.memory_space<hbm>>
    %dma_wait3A_145 = arith.constant 0 : i32
    %dma_wait3A_146 = tpu.memref_slice %arg5[%mul3A_142, %dma_wait3A_145] : memref<4096x8192xf32, #tpu.memory_space<hbm>> -> memref<4x8192xf32, #tpu.memory_space<hbm>>
    tpu.wait_dma2 semaphore(%arg16 : memref<!tpu.dma_semaphore, #tpu.memory_space<semaphore_mem>>) src(%arg10 : memref<4x8192xf32, #tpu.memory_space<vmem>>) dst(%dma_wait3A_146 : memref<4x8192xf32, #tpu.memory_space<hbm>>)
    %add3A_147 = arith.constant 31 : i32
    %add3A_148 = arith.addi %mul3A_2, %add3A_147 : i32
    %mul3A_149 = arith.constant 4 : i32
    %mul3A_150 = arith.muli %add3A_148, %mul3A_149 : i32
    %dma_wait3A_151 = arith.constant 0 : i32
    %dma_wait3A_152 = tpu.memref_slice %arg5[%mul3A_150, %dma_wait3A_151] : memref<4096x8192xf32, #tpu.memory_space<hbm>> -> memref<4x8192xf32, #tpu.memory_space<hbm>>
    %dma_wait3A_153 = arith.constant 0 : i32
    %dma_wait3A_154 = tpu.memref_slice %arg5[%mul3A_150, %dma_wait3A_153] : memref<4096x8192xf32, #tpu.memory_space<hbm>> -> memref<4x8192xf32, #tpu.memory_space<hbm>>
    tpu.wait_dma2 semaphore(%arg17 : memref<!tpu.dma_semaphore, #tpu.memory_space<semaphore_mem>>) src(%arg11 : memref<4x8192xf32, #tpu.memory_space<vmem>>) dst(%dma_wait3A_154 : memref<4x8192xf32, #tpu.memory_space<hbm>>)
    return
  }
}

module attributes {stable_mosaic.version = 14 : i64} {
  func.func @body(%arg0: memref<1024x5x16xf32, #tpu.memory_space<vmem>>, %arg1: memref<1x1xf32, #tpu.memory_space<vmem>>) attributes {dimension_semantics = [], scalar_prefetch = 0 : i64, scratch_operands = 0 : i64, tpu.core_type = #tpu.core_type<tc>} {
    %get3A = arith.constant 0 : index
    %get3A_0 = arith.constant 0 : index
    %get3A_1 = arith.constant 0 : index
    %get3A_2 = vector.load %arg0[%get3A, %get3A_0, %get3A_1] : memref<1024x5x16xf32, #tpu.memory_space<vmem>>, vector<1024x5x16xf32>
    %slice3A = vector.extract_strided_slice %get3A_2 {offsets = [0, 0, 0], sizes = [1024, 4, 16], strides = [1, 1, 1]} : vector<1024x5x16xf32> to vector<1024x4x16xf32>
    %reduce_sum3A = arith.constant dense<0.000000e+00> : vector<1024x4xf32>
    %reduce_sum3A_3 = vector.multi_reduction <add>, %slice3A, %reduce_sum3A [2] : vector<1024x4x16xf32> to vector<1024x4xf32>
    %log3A = math.log %reduce_sum3A_3 : vector<1024x4xf32>
    %reduce_sum3A_4 = vector.shape_cast %log3A : vector<1024x4xf32> to vector<1x1024x4xf32>
    %reduce_sum3A_5 = arith.constant dense<0.000000e+00> : vector<1xf32>
    %reduce_sum3A_6 = vector.multi_reduction <add>, %reduce_sum3A_4, %reduce_sum3A_5 [1, 2] : vector<1x1024x4xf32> to vector<1xf32>
    %reduce_sum3A_7 = vector.shape_cast %reduce_sum3A_6 : vector<1xf32> to vector<1x1x1xf32>
    %reduce_sum3A_8 = vector.extract %reduce_sum3A_7[0, 0, 0] : f32 from vector<1x1x1xf32>
    %slice3A_9 = vector.extract_strided_slice %get3A_2 {offsets = [0, 4, 0], sizes = [1024, 1, 16], strides = [1, 1, 1]} : vector<1024x5x16xf32> to vector<1024x1x16xf32>
    %squeeze3A = vector.shape_cast %slice3A_9 : vector<1024x1x16xf32> to vector<1024x16xf32>
    %reduce_sum3A_10 = vector.shape_cast %squeeze3A : vector<1024x16xf32> to vector<1x1024x16xf32>
    %reduce_sum3A_11 = arith.constant dense<0.000000e+00> : vector<1xf32>
    %reduce_sum3A_12 = vector.multi_reduction <add>, %reduce_sum3A_10, %reduce_sum3A_11 [1, 2] : vector<1x1024x16xf32> to vector<1xf32>
    %reduce_sum3A_13 = vector.shape_cast %reduce_sum3A_12 : vector<1xf32> to vector<1x1x1xf32>
    %reduce_sum3A_14 = vector.extract %reduce_sum3A_13[0, 0, 0] : f32 from vector<1x1x1xf32>
    %sub3A = arith.subf %reduce_sum3A_8, %reduce_sum3A_14 : f32
    %div3A = arith.constant 4.096000e+03 : f32
    %div3A_15 = arith.divf %sub3A, %div3A : f32
    %broadcast_in_dim3A = vector.broadcast %div3A_15 : f32 to vector<1x1xf32>
    %swap3A = arith.constant 0 : index
    %swap3A_16 = arith.constant 0 : index
    %swap3A_17 = vector.load %arg1[%swap3A, %swap3A_16] : memref<1x1xf32, #tpu.memory_space<vmem>>, vector<1x1xf32>
    tpu.vector_store %arg1[%swap3A, %swap3A_16], %broadcast_in_dim3A {strides = array<i32>} : memref<1x1xf32, #tpu.memory_space<vmem>>, vector<1x1xf32>,
    return
  }
}

</mosaic_0001>

<sc_bundles>
// kernel: kernel.4.cloned.1.call-start
scs
__scs_entry_jumppad:
0x0: {  	(pc) =	sbr.rel $0x88, $3  }
0x1: {  	(tag) =	ssettag $0x0;
	lr =	simm.s32 $0x1  }
0x2: {  	[smem:$0x3F9E] =	sst lr;
	_ =	strace $0xD0000000  }
0x3: {  	_ = 	snop  }
0x4: {  	_ = 	snop  }
0x5: {  	_ = 	snop  }
0x6: {  	_ = 	snop  }
0x7: {  	_ = 	snop  }
__scs_overlays_trampoline_lowered:
0x8: {  	[smem:$0x3FAD] =	sst s0  }
0x9: {  	[smem:$0x3FAE] =	sst s1  }
0xa: {  	[smem:$0x3FAF] =	sst s2  }
0xb: {  	[smem:$0x3FB0] =	sst s3  }
0xc: {  	[smem:$0x3FB1] =	sst s4  }
0xd: {  	[smem:$0x3FB2] =	sst s5  }
0xe: {  	[smem:$0x3FB3] =	sst s6  }
0xf: {  	[smem:$0x3FB4] =	sst s7  }
0x10: {  	[smem:$0x3FB5] =	sst s8  }
0x11: {  	[smem:$0x3FB6] =	sst s9;
	s0 =	simm.s32 @!p0 $0x0  }
0x12: {  	s1 =	sld [smem:$0x3F9C];
	s0 =	simm.s32 @p0 $0x1  }
0x13: {  	[smem:$0x3FB7] =	sst s0;
	s0 =	simm.s32 @!p1 $0x0  }
0x14: {  	s2 =	sld [smem:$0x3F9B];
	s0 =	simm.s32 @p1 $0x1  }
0x15: {  	[smem:$0x3FB8] =	sst s0;
	s0 =	simm.s32 @!p2 $0x0  }
0x16: {  	s3 =	sld [smem:$0x3FDB];
	s0 =	simm.s32 @p2 $0x1  }
0x17: {  	s4 =	simm.s32 $0x1BF5;
	[smem:$0x3FBA] =	sst s0  }
0x18: {  	s0 =	sld [smem:$0x3F9D];
	_ =	swait.ge [sflag:s4], $0x0  }
0x19: {  	s7 =	sld [smem:$0x3F9E]  }
0x1a: {  	s8 =	sadd.s32 $0xFFFFE003, lr  }
0x1b: {  	s9 =	sadd.s32 $0xFFFFFEF7, lr;
	s5 =	simm.s32 $0xFFFFFFFF;
	p2 =	slt.u32 s8, $0xFFFFF086  }
0x1c: {  	p1 =	slt.u32 s9, $0xF7A;
	s5 =	simm.s32 @!p2 $0x0  }
0x1d: {  	s5 =	simm.s32 @p1 $0x1;
	p0 =	seq.s32 s7, s2  }
0x1e: {  	s7 =	smul.u32 @!p0 $0xF7A, s2;
	p2 =	seq.s32 @!p0 s5, $0x0  }
0x1f: {  	s9 =	smul.u32 $0xF7A, s1;
	s8 =	simm.s32 @!p0 $0x1BF5;
	p2 =	por !p2, p0  }
0x20: {  	[sflag:s8] =	ssyncset.s32 @!p0 $0xFFFFF086;
	s6 =	sadd.s32 @!p0 s3, s7;
	s7 =	simm.s32 @!p0 $0x108  }
0x21: {  	s3 =	sadd.s32 s3, s9;
	s6 =	sadd.s32 @!p0 $0x88, s6;
	s7 =	simm.s32 @p2 $0x1082  }
0x22: {  	[simem:s7], [sflag:s8] =	dma.local @!p0 [hbm:s6], $0xF7A  }
0x23: {  	s9 =	sor.u32 $0xD0000000, s2;
	s6 =	simm.s32 $0x108;
	_ =	swait.ge @!p0 [sflag:s8], $0x0  }
0x24: {  	s3 =	sadd.s32 $0x88, s3;
	s6 =	simm.s32 @!p1 $0x1082;
	[sflag:s4] =	ssyncset.s32 $0xFFFFF086  }
0x25: {  	[simem:s6], [sflag:s4] =	dma.local [hbm:s3], $0xF7A  }
0x26: {  	[smem:$0x3F9E] =	sst s1;
	(tag) =	ssettag s2;
	_ =	strace s9  }
0x27: {  	s1 =	sld [smem:$0x3FAE]  }
0x28: {  	s2 =	sld [smem:$0x3FAF]  }
0x29: {  	s4 =	sld [smem:$0x3FB1]  }
0x2a: {  	p0 =	seq.s32 s5, $0x0;
	s5 =	sld [smem:$0x3FB2]  }
0x2b: {  	s6 =	sld [smem:$0x3FB3]  }
0x2c: {  	s7 =	sld [smem:$0x3FB4]  }
0x2d: {  	s3 =	simm.s32 $0x108;
	s8 =	sld [smem:$0x3FB5]  }
0x2e: {  	s3 =	simm.s32 @!p0 $0x1082;
	s9 =	sld [smem:$0x3FB6]  }
0x2f: {  	lr =	sadd.s32 s0, s3;
	s0 =	sld [smem:$0x3FAD]  }
0x30: {  	s3 =	sld [smem:$0x3FB0]  }
0x31: {  	[smem:$0x3FB9] =	sst s10  }
0x32: {  	s10 =	sld [smem:$0x3FB7];
	_ =	sdelay $0x3  }
0x33: {  	p0 =	seq.s32 s10, $0x1;
	s10 =	sld [smem:$0x3FB9];
	_ =	sdelay $0x3  }
0x34: {  	[smem:$0x3FB9] =	sst s10  }
0x35: {  	s10 =	sld [smem:$0x3FB8];
	_ =	sdelay $0x3  }
0x36: {  	p1 =	seq.s32 s10, $0x1;
	s10 =	sld [smem:$0x3FB9];
	_ =	sdelay $0x3  }
0x37: {  	[smem:$0x3FB9] =	sst s10  }
0x38: {  	s10 =	sld [smem:$0x3FBA]  }
0x39: {  	_ = 	snop;
	(pc) =	sbr.ind lr, $3  }
0x3a: {  	_ = 	snop  }
0x3b: {  	_ = 	snop  }
0x3c: {  	p2 =	seq.s32 s10, $0x1;
	s10 =	sld [smem:$0x3FB9]  }
0x3d: {  	_ =	shalt  }
0x3e: {  	_ =	shalt  }
0x3f: {  	_ =	shalt  }
0x40: {  	_ =	shalt  }
0x41: {  	_ =	shalt  }
0x42: {  	_ =	shalt  }
0x43: {  	_ =	shalt  }
0x44: {  	_ =	shalt  }
0x45: {  	_ =	shalt  }
0x46: {  	_ =	shalt  }
0x47: {  	_ =	shalt  }
0x48: {  	_ =	shalt  }
0x49: {  	_ =	shalt  }
0x4a: {  	_ =	shalt  }
0x4b: {  	_ =	shalt  }
0x4c: {  	_ =	shalt  }
0x4d: {  	_ =	shalt  }
0x4e: {  	_ =	shalt  }
0x4f: {  	_ =	shalt  }
0x50: {  	_ =	shalt  }
0x51: {  	_ =	shalt  }
0x52: {  	_ =	shalt  }
0x53: {  	_ =	shalt  }
0x54: {  	_ =	shalt  }
0x55: {  	_ =	shalt  }
0x56: {  	_ =	shalt  }
0x57: {  	_ =	shalt  }
0x58: {  	_ =	shalt  }
0x59: {  	_ =	shalt  }
0x5a: {  	_ =	shalt  }
0x5b: {  	_ =	shalt  }
0x5c: {  	_ =	shalt  }
0x5d: {  	_ =	shalt  }
0x5e: {  	_ =	shalt  }
0x5f: {  	_ =	shalt  }
0x60: {  	_ =	shalt  }
0x61: {  	_ =	shalt  }
0x62: {  	_ =	shalt  }
0x63: {  	_ =	shalt  }
0x64: {  	_ =	shalt  }
0x65: {  	_ =	shalt  }
0x66: {  	_ =	shalt  }
0x67: {  	_ =	shalt  }
0x68: {  	_ =	shalt  }
0x69: {  	_ =	shalt  }
0x6a: {  	_ =	shalt  }
0x6b: {  	_ =	shalt  }
0x6c: {  	_ =	shalt  }
0x6d: {  	_ =	shalt  }
0x6e: {  	_ =	shalt  }
0x6f: {  	_ =	shalt  }
0x70: {  	_ =	shalt  }
0x71: {  	_ =	shalt  }
0x72: {  	_ =	shalt  }
0x73: {  	_ =	shalt  }
0x74: {  	_ =	shalt  }
0x75: {  	_ =	shalt  }
0x76: {  	_ =	shalt  }
0x77: {  	_ =	shalt  }
0x78: {  	_ =	shalt  }
0x79: {  	_ =	shalt  }
0x7a: {  	_ =	shalt  }
0x7b: {  	_ =	shalt  }
0x7c: {  	_ =	shalt  }
0x7d: {  	_ =	shalt  }
0x7e: {  	_ =	shalt  }
0x7f: {  	_ =	shalt  }
0x80: {  	_ =	shalt  }
0x81: {  	_ =	shalt  }
0x82: {  	_ =	shalt  }
0x83: {  	_ =	shalt  }
0x84: {  	_ =	shalt  }
0x85: {  	_ =	shalt  }
0x86: {  	_ =	shalt  }
0x87: {  	_ =	shalt  }
.Lfunc_end0:
.L_simem_size_0:
called_computation_lowered:
.L_overlay_start_0:
0x88: {  	s2 =	sld [smem:$0x3FD9]  }
0x89: {  	s3 =	sld [smem:$0x3FFE];
	_ =	sdelay $0x1  }
0x8a: {  	s1 =	srdreg.scid  }
0x8b: {  	s0 =	sand.u32 $0x1, s1  }
0x8c: {  	s14 =	sshll.u32 s0, $0xA;
	s2 =	sadd.s32 s3, s2  }
0x8d: {  	s2 =	sadd.s32 s2, s14  }
0x8e: {  	[smem:$0x3FC5] =	sst s2  }
0x8f: {  	_ = 	snop  }
0x90: {  	s2 =	sld [smem:$0x3FD0];
	_ =	sdelay $0x2  }
0x91: {  	s4 =	simm.s32 $0xA;
	s5 =	simm.s32 $0x10;
	s15 =	sld [smem:$0x3FC7]  }
0x92: {  	[smem:s5], [sflag:s4] =	dma.local [hbm:s2], $0x1  }
0x93: {  	_ =	swait.eq [sflag:s4], $0x1  }
0x94: {  	[sflag:s4] =	ssyncset.done $0x0  }
0x95: {  	[sflag:s4] =	ssyncadd.s32 $0xFFFFFFFF  }
0x96: {  	s16 =	sld [smem:$0x10];
	(tm) =	ssettm $0x1  }
0x97: {  	s17 =	sld [smem:$0x3FFB];
	_ =	sdelay $0x3  }
0x98: {  	_ =	strace s17  }
0x99: {  	s4 =	sld [smem:$0x3FFC];
	_ =	sdelay $0x3  }
0x9a: {  	_ =	strace s4  }
0x9b: {  	s4 =	sld [smem:$0x3FFD];
	_ =	sdelay $0x3  }
0x9c: {  	_ =	strace s4  }
0x9d: {  	_ =	strace $0x8FFFFFFF  }
0x9e: {  	s18 =	sld [smem:$0x3FDB];
	_ =	sdelay $0x1  }
0x9f: {  	s19 =	simm.s32 $_scs_section_size  }
0xa0: {  	s6 =	simm.s32 $_size__tile_overlayer_lowered;
	s7 =	simm.s32 $_tile_overlayer_lowered  }
0xa1: {  	s22 =	simm.s32 $0x1BFF;
	s21 =	sshll.u32 s7, $0x1;
	s4 =	sadd.s32 s19, s18  }
0xa2: {  	s8 =	simm.s32 $0x0;
	s20 =	sshll.u32 s6, $0x1;
	s6 =	sadd.s32 s21, s4  }
0xa3: {  	[timem:s8], [sflag:s22] =	dma.local [hbm:s6], s20  }
0xa4: {  	_ =	swait.ge [sflag:s22], s20  }
0xa5: {  	s5 =	ssub.s32 $0x0, s20;
	[sflag:s22] =	ssyncset.done $0x0  }
0xa6: {  	[sflag:s22] =	ssyncadd.s32 s5;
	_ =	sdelay $0x1  }
0xa7: {  	s23 =	simm.s32 $0x1B8B  }
0xa8: {  	_ =	swait.ge [sflag:s23], $0x1  }
0xa9: {  	[sflag:s23] =	ssyncset.done $0x0  }
0xaa: {  	s25 =	simm.s32 $0x1B8E;
	s24 =	sld [smem:$0x3FFE];
	[sflag:s23] =	ssyncadd.s32 $0xFFFFFFFF  }
0xab: {  	s26 =	simm.s32 $execute0_lowered;
	[smem:$0x3FD2] =	sst s25  }
0xac: {  	s6 =	sshll.u32 s26, $0x1;
	_ =	strace $0x80000046;
	[dreg:$0x1] =	wrdreg $0xFFFFFFFF  }
0xad: {  	s28 =	simm.s32 $_size_execute0_lowered;
	s4 =	sadd.s32 s4, s6;
	[dreg:$0x0] =	wrdreg $0x0  }
0xae: {  	s6 =	sshll.u32 s28, $0x1;
	[dreg:$0x2] =	wrdreg s4  }
0xaf: {  	[dreg:$0x3] =	wrdreg s6  }
0xb0: {  	[dreg:$0x4] =	wrdreg $0xC0  }
0xb1: {  	_ =	task [dreg:s8], $0x5FFFF  }
0xb2: {  	[dreg:$0x1] =	wrdreg $0xFFFFFFFF  }
0xb3: {  	[dreg:$0x0] =	wrdreg $0x60  }
0xb4: {  	[dreg:$0x2] =	wrdreg s15  }
0xb5: {  	[dreg:$0x3] =	wrdreg s24  }
0xb6: {  	[dreg:$0x4] =	wrdreg s16  }
0xb7: {  	[dreg:$0x5] =	wrdreg $0x9  }
0xb8: {  	_ =	task.clear_ibuf [dreg:s8], $0x6FFFF;
	_ =	strace $0x90000046  }
0xb9: {  	s29 =	simm.s32 $0x9;
	_ =	strace $0x80000048  }
0xba: {  	_ =	swait.ge [sflag:s29], $0x1  }
0xbb: {  	[sflag:s29] =	ssyncadd.s32 $0xFFFFFFFF  }
0xbc: {  	_ =	strace $0x90000048  }
0xbd: {  	_ =	sfence  }
0xbe: {  	s30 =	sld [smem:$0x0];
	_ =	sdelay $0x2  }
0xbf: {  	s31 =	sshll.u32 s1, $0xD;
	s1 =	sshrl.u32 s1, $0x2  }
0xc0: {  	s3 =	sand.u32 $0x4000, s31;
	s1 =	sadd.s32 s1, s30  }
0xc1: {  	s0 =	sor.u32 s3, s0;
	s1 =	sshll.u32 s1, $0x11  }
0xc2: {  	s0 =	sor.u32 s1, s0  }
0xc3: {  	s0 =	sadd.s32 $0x8F2B, s0  }
0xc4: {  	[sflag:s0] =	ssyncadd.remote.s32 $0x1  }
0xc5: {  	_ =	sfence.sel $0xFFFF  }
0xc6: {  	[dreg:$0x0] =	wrdreg $0xFFFFFFFF;
	(pc) =	sbr.abs _section_cstart, $3  }
0xc7: {  	[dreg:$0x1] =	wrdreg $0xFFFFFFFF  }
0xc8: {  	_ =	task.clear_ibuf [dreg:s8], $0x2FFFF;
	_ =	strace $0x9FFFFFFF  }
0xc9: {  	(tm) =	ssettm $0x7FFFFFFF  }
tec
execute0_lowered:
.L_overlay_start_1:
0x0: {  	(tag) =	ssettag $0x1  }
0x1: {  	s23 =	rddreg [dreg:$0x0]  }
0x2: {  	s0 =	rddreg [dreg:$0x1]  }
0x3: {  	s7 =	rddreg [dreg:$0x2]  }
0x4: {  	s8 =	simm.s32 $0x0;
	s1 =	srdreg.scid;
	s2 =	stileid.u32  }
0x5: {  	s30 =	simm.s32 $0x7;
	[smem:$0x7FF] =	sst s8;
	s1 =	sand.u32 $0x1, s1  }
0x6: {  	s2 =	sshll.u32 s2, $0x1;
	s5 =	sadd.s32 $0x4C00, s0;
	s9 =	sadd.s32 $0x200, s23  }
0x7: {  	v0 =	vimm.s32 $0x18180;
	s10 =	sadd.s32 $0x400, s23;
	s11 =	sadd.s32 $0x600, s23;
	s12 =	sadd.s32 $0x800, s23  }
0x8: {  	vm0 =	vcmask $0x300;
	v2 =	vimm.s32 $0x3020100;
	s13 =	sadd.s32 $0xA00, s23;
	s14 =	sadd.s32 $0xC00, s23;
	s15 =	sadd.s32 $0xE00, s23  }
0x9: {  	s16 =	sadd.s32 $0x1000, s23;
	s17 =	sadd.s32 $0x1200, s23;
	s18 =	sadd.s32 $0x1400, s23;
	v0 =	vsel vm0, $0x0, v0;
	vm0 =	vcmask $0x704  }
0xa: {  	v1 =	vlaneseq.u32;
	s28 =	sadd.s32 $0x1C00, s23;
	s29 =	sadd.s32 $0x1E00, s23;
	s2 =	sor.u32 s1, s2;
	v0 =	vsel vm0, $0x80, v0;
	vm0 =	vcmask $0xB08  }
0xb: {  	vm2 =	vcmask $0x1300;
	_ =	strace $0x80000047;
	s1 =	ssub.s32 $0x2, s1;
	s3 =	sshll.u32 s2, $0x9;
	v0 =	vsel vm0, $0x100, v0;
	vm0 =	vcmask $0xF0C  }
0xc: {  	v4 =	vimm.s32 $0x7B7A7978;
	s4 =	sshll.u32 s2, $0x4;
	s6 =	sshrl.u32 s1, $0x1;
	s3 =	sadd.s32 s3, s0;
	v0 =	vsel vm0, $0x180, v0;
	vm0 =	vcmask $0x1310  }
0xd: {  	v5 =	vimm.s32 $0x7F7E7D7C;
	s4 =	sadd.s32 s4, s0;
	s0 =	ssub.s32 s1, s6;
	s6 =	sshll.u32 s2, $0x5;
	v0 =	vsel vm0, $0x8000, v0;
	vm0 =	vcmask $0x1714  }
0xe: {  	vm1 =	vcmask $0x3B38;
	s2 =	sshllo.u32 s2, $0x5;
	s19 =	sadd.s32 $0xC00, s3;
	s20 =	sadd.s32 $0xA00, s4;
	v0 =	vsel vm0, $0x8080, v0;
	vm0 =	vcmask $0x1B18  }
0xf: {  	v2 =	vunpack.c.0.s8.s32 v2;
	s21 =	sor.u32 $0x1E, s6;
	s24 =	sshll.u32 s2, $0xC;
	[dreg:$0x4] =	wrdreg s19;
	v0 =	vsel vm0, $0x8100, v0;
	vm0 =	vcmask $0x1F1C  }
0x10: {  	v4 =	vunpack.c.0.s8.s32 v4;
	s2 =	sshll.u32 s2, $0x7;
	s0 =	smax.u32 s0, $0x1;
	[dreg:$0x5] =	wrdreg s20;
	v0 =	vsel vm0, $0x8180, v0;
	vm0 =	vcmask $0x2320  }
0x11: {  	v5 =	vunpack.c.0.s8.s32 v5;
	s19 =	sadd.s32 $0x1600, s23;
	s20 =	sadd.s32 $0x1800, s23;
	s22 =	sshll.u32 s21, $0xC;
	v0 =	vsel vm0, $0x10000, v0;
	vm0 =	vcmask $0x2724  }
0x12: {  	v2 =	vnsel vm2, $0x0, v2;
	s1 =	sshll.u32 s21, $0x7;
	s25 =	sand.u32 $0x3FE000, s24;
	s31 =	sadd.s32 s5, s2;
	v0 =	vsel vm0, $0x10080, v0;
	vm0 =	vcmask $0x2B28  }
0x13: {  	v4 =	vnsel vm2, $0x78, v4;
	[dreg:$0xa] =	wrdreg s0;
	s21 =	simm.s32 $0x1000;
	s24 =	simm.s32 $0x1480;
	v3 =	vsel vm0, $0x10100, v0;
	vm0 =	vcmask $0x2F2C  }
0x14: {  	s2 =	simm.s32 $0x0;
	s3 =	sadd.s32 s7, s22;
	[dreg:$0x9] =	wrdreg s31;
	v0 =	vand.u32 $0x3, v1;
	v3 =	vsel vm0, $0x10180, v3;
	vm0 =	vcmask $0x3330  }
0x15: {  	s1 =	sadd.s32 s5, s1;
	s26 =	sadd.s32 s25, s7;
	[dreg:$0x6] =	wrdreg s3;
	v1 =	vshrl.u32 v1, $0x2;
	v3 =	vsel vm0, $0x18000, v3;
	vm0 =	vcmask $0x3734  }
0x16: {  	v5 =	vnsel vm2, $0x7C, v5;
	s7 =	simm.s32 $0x9480;
	[dreg:$0x7] =	wrdreg s1;
	s1 =	sadd.s32 $0x40, s26;
	v1 =	vmul.u32 $0x8, v1;
	v3 =	vsel vm0, $0x18080, v3  }
0x17: {  	s25 =	simm.s32 $0x11480;
	s26 =	sadd.s32 $0x1A00, s23;
	[dreg:$0x8] =	wrdreg s1;
	vm0 =	vmmov $0xffff;
	v3 =	vsel vm1, $0x18100, v3;
	vm1 =	vmmov $0xf  }
.LBB2_1:
0x18: {  	[dreg:$0xb] =	wrdreg s2  }
0x19: {  	s0 =	rddreg [dreg:$0x4]  }
0x1a: {  	[tilespmem:s8], [sflag:$0x7] =	stream.linear.gather [hbm4b:s0+s8], $0x1000, $0x38;
	[tilespmem:$0x19480] =	vst v63  }
0x1b: {  	_ =	swait.ge [sflag:s30], $0x1000  }
0x1c: {  	[sflag:s30] =	ssyncset.done $0x0  }
0x1d: {  	s4 =	rddreg [dreg:$0x5];
	[sflag:s30] =	ssyncadd.s32 $0xFFFFF000  }
0x1e: {  	[tilespmem:s21], [sflag:$0x7] =	stream.linear.gather [hbm4b:s4+s8], $0x80, $0x38;
	[tilespmem:$0x19480] =	vst v63  }
0x1f: {  	_ =	swait.ge [sflag:s30], $0x80  }
0x20: {  	[sflag:s30] =	ssyncset.done $0x0  }
0x21: {  	[sflag:s30] =	ssyncadd.s32 $0xFFFFFF80  }
0x22: {  	v6 =	vld.msk [tilespmem:$0x0], $0xf;
	_ =	sdelay $0x4  }
0x23: {  	v7 =	vshll.u32 v6, $0x6  }
0x24: {  	v6 =	vand.u32 $0x7, v6;
	v7 =	vand.u32 $0xFFFFFE00, v7  }
0x25: {  	v6 =	vor.u32 v6, v7  }
0x26: {  	v6 =	vperm.xlane v6, v0;
	_ =	sdelay $0x1  }
0x27: {  	v6 =	vadd.s32 v1, v6;
	_ =	sdelay $0x4  }
0x28: {  	[tilespmem:s24], [sflag:$0x1] =	stream.indirect_vreg.gather [hbm4b:s23+s8], $0x80, v6, vm0, $0xb8;
	[tilespmem:$0x19480] =	vst v63  }
0x29: {  	s22 =	simm.s32 $0x1C80  }
0x2a: {  	[tilespmem:s22], [sflag:$0x1] =	stream.indirect_vreg.gather [hbm4b:s9+s8], $0x80, v6, vm0, $0xb8;
	[tilespmem:$0x19480] =	vst v63  }
0x2b: {  	s31 =	simm.s32 $0x2480  }
0x2c: {  	[tilespmem:s31], [sflag:$0x1] =	stream.indirect_vreg.gather [hbm4b:s10+s8], $0x80, v6, vm0, $0xb8;
	[tilespmem:$0x19480] =	vst v63  }
0x2d: {  	s1 =	simm.s32 $0x2C80  }
0x2e: {  	[tilespmem:s1], [sflag:$0x1] =	stream.indirect_vreg.gather [hbm4b:s11+s8], $0x80, v6, vm0, $0xb8;
	[tilespmem:$0x19480] =	vst v63  }
0x2f: {  	s2 =	simm.s32 $0x3480  }
0x30: {  	[tilespmem:s2], [sflag:$0x1] =	stream.indirect_vreg.gather [hbm4b:s12+s8], $0x80, v6, vm0, $0xb8;
	[tilespmem:$0x19480] =	vst v63  }
0x31: {  	s3 =	simm.s32 $0x3C80  }
0x32: {  	[tilespmem:s3], [sflag:$0x1] =	stream.indirect_vreg.gather [hbm4b:s13+s8], $0x80, v6, vm0, $0xb8;
	[tilespmem:$0x19480] =	vst v63  }
0x33: {  	s4 =	simm.s32 $0x4480  }
0x34: {  	[tilespmem:s4], [sflag:$0x1] =	stream.indirect_vreg.gather [hbm4b:s14+s8], $0x80, v6, vm0, $0xb8;
	[tilespmem:$0x19480] =	vst v63  }
0x35: {  	s21 =	simm.s32 $0x4C80  }
0x36: {  	[tilespmem:s21], [sflag:$0x1] =	stream.indirect_vreg.gather [hbm4b:s15+s8], $0x80, v6, vm0, $0xb8;
	[tilespmem:$0x19480] =	vst v63  }
0x37: {  	s22 =	simm.s32 $0x5480  }
0x38: {  	[tilespmem:s22], [sflag:$0x1] =	stream.indirect_vreg.gather [hbm4b:s16+s8], $0x80, v6, vm0, $0xb8;
	[tilespmem:$0x19480] =	vst v63  }
0x39: {  	s31 =	simm.s32 $0x5C80  }
0x3a: {  	[tilespmem:s31], [sflag:$0x1] =	stream.indirect_vreg.gather [hbm4b:s17+s8], $0x80, v6, vm0, $0xb8;
	[tilespmem:$0x19480] =	vst v63  }
0x3b: {  	s1 =	simm.s32 $0x6480  }
0x3c: {  	[tilespmem:s1], [sflag:$0x1] =	stream.indirect_vreg.gather [hbm4b:s18+s8], $0x80, v6, vm0, $0xb8;
	[tilespmem:$0x19480] =	vst v63  }
0x3d: {  	s2 =	simm.s32 $0x6C80  }
0x3e: {  	[tilespmem:s2], [sflag:$0x1] =	stream.indirect_vreg.gather [hbm4b:s19+s8], $0x80, v6, vm0, $0xb8;
	[tilespmem:$0x19480] =	vst v63  }
0x3f: {  	s3 =	simm.s32 $0x7480  }
0x40: {  	[tilespmem:s3], [sflag:$0x1] =	stream.indirect_vreg.gather [hbm4b:s20+s8], $0x80, v6, vm0, $0xb8;
	[tilespmem:$0x19480] =	vst v63  }
0x41: {  	s4 =	simm.s32 $0x7C80  }
0x42: {  	[tilespmem:s4], [sflag:$0x1] =	stream.indirect_vreg.gather [hbm4b:s26+s8], $0x80, v6, vm0, $0xb8;
	[tilespmem:$0x19480] =	vst v63  }
0x43: {  	s21 =	simm.s32 $0x8480  }
0x44: {  	[tilespmem:s21], [sflag:$0x1] =	stream.indirect_vreg.gather [hbm4b:s28+s8], $0x80, v6, vm0, $0xb8;
	[tilespmem:$0x19480] =	vst v63  }
0x45: {  	s22 =	simm.s32 $0x8C80  }
0x46: {  	[tilespmem:s22], [sflag:$0x1] =	stream.indirect_vreg.gather [hbm4b:s29+s8], $0x80, v6, vm0, $0xb8;
	[tilespmem:$0x19480] =	vst v63  }
0x47: {  	v6 =	vld.msk [tilespmem:$0x80], $0xf;
	_ =	sdelay $0x4  }
0x48: {  	v7 =	vshll.u32 v6, $0x6  }
0x49: {  	v6 =	vand.u32 $0x7, v6;
	v7 =	vand.u32 $0xFFFFFE00, v7  }
0x4a: {  	v6 =	vor.u32 v6, v7  }
0x4b: {  	v6 =	vperm.xlane v6, v0;
	_ =	sdelay $0x1  }
0x4c: {  	v6 =	vadd.s32 v1, v6;
	_ =	sdelay $0x4  }
0x4d: {  	[tilespmem:s7], [sflag:$0x2] =	stream.indirect_vreg.gather [hbm4b:s23+s8], $0x80, v6, vm0, $0xb8;
	[tilespmem:$0x19480] =	vst v63  }
0x4e: {  	s31 =	simm.s32 $0x9C80  }
0x4f: {  	[tilespmem:s31], [sflag:$0x2] =	stream.indirect_vreg.gather [hbm4b:s9+s8], $0x80, v6, vm0, $0xb8;
	[tilespmem:$0x19480] =	vst v63  }
0x50: {  	s1 =	simm.s32 $0xA480  }
0x51: {  	[tilespmem:s1], [sflag:$0x2] =	stream.indirect_vreg.gather [hbm4b:s10+s8], $0x80, v6, vm0, $0xb8;
	[tilespmem:$0x19480] =	vst v63  }
0x52: {  	s2 =	simm.s32 $0xAC80  }
0x53: {  	[tilespmem:s2], [sflag:$0x2] =	stream.indirect_vreg.gather [hbm4b:s11+s8], $0x80, v6, vm0, $0xb8;
	[tilespmem:$0x19480] =	vst v63  }
0x54: {  	s3 =	simm.s32 $0xB480  }
0x55: {  	[tilespmem:s3], [sflag:$0x2] =	stream.indirect_vreg.gather [hbm4b:s12+s8], $0x80, v6, vm0, $0xb8;
	[tilespmem:$0x19480] =	vst v63  }
0x56: {  	s7 =	simm.s32 $0xBC80  }
0x57: {  	[tilespmem:s7], [sflag:$0x2] =	stream.indirect_vreg.gather [hbm4b:s13+s8], $0x80, v6, vm0, $0xb8;
	[tilespmem:$0x19480] =	vst v63  }
0x58: {  	s21 =	simm.s32 $0xC480  }
0x59: {  	[tilespmem:s21], [sflag:$0x2] =	stream.indirect_vreg.gather [hbm4b:s14+s8], $0x80, v6, vm0, $0xb8;
	[tilespmem:$0x19480] =	vst v63  }
0x5a: {  	s22 =	simm.s32 $0xCC80  }
0x5b: {  	[tilespmem:s22], [sflag:$0x2] =	stream.indirect_vreg.gather [hbm4b:s15+s8], $0x80, v6, vm0, $0xb8;
	[tilespmem:$0x19480] =	vst v63  }
0x5c: {  	s31 =	simm.s32 $0xD480  }
0x5d: {  	[tilespmem:s31], [sflag:$0x2] =	stream.indirect_vreg.gather [hbm4b:s16+s8], $0x80, v6, vm0, $0xb8;
	[tilespmem:$0x19480] =	vst v63  }
0x5e: {  	s1 =	simm.s32 $0xDC80  }
0x5f: {  	[tilespmem:s1], [sflag:$0x2] =	stream.indirect_vreg.gather [hbm4b:s17+s8], $0x80, v6, vm0, $0xb8;
	[tilespmem:$0x19480] =	vst v63  }
0x60: {  	s2 =	simm.s32 $0xE480  }
0x61: {  	[tilespmem:s2], [sflag:$0x2] =	stream.indirect_vreg.gather [hbm4b:s18+s8], $0x80, v6, vm0, $0xb8;
	[tilespmem:$0x19480] =	vst v63  }
0x62: {  	s3 =	simm.s32 $0xEC80  }
0x63: {  	[tilespmem:s3], [sflag:$0x2] =	stream.indirect_vreg.gather [hbm4b:s19+s8], $0x80, v6, vm0, $0xb8;
	[tilespmem:$0x19480] =	vst v63  }
0x64: {  	s7 =	simm.s32 $0xF480  }
0x65: {  	[tilespmem:s7], [sflag:$0x2] =	stream.indirect_vreg.gather [hbm4b:s20+s8], $0x80, v6, vm0, $0xb8;
	[tilespmem:$0x19480] =	vst v63  }
0x66: {  	s21 =	simm.s32 $0xFC80  }
0x67: {  	[tilespmem:s21], [sflag:$0x2] =	stream.indirect_vreg.gather [hbm4b:s26+s8], $0x80, v6, vm0, $0xb8;
	[tilespmem:$0x19480] =	vst v63  }
0x68: {  	s22 =	simm.s32 $0x10480  }
0x69: {  	[tilespmem:s22], [sflag:$0x2] =	stream.indirect_vreg.gather [hbm4b:s28+s8], $0x80, v6, vm0, $0xb8;
	[tilespmem:$0x19480] =	vst v63  }
0x6a: {  	s4 =	simm.s32 $0x9480;
	s31 =	simm.s32 $0x10C80;
	s1 =	simm.s32 $0x0  }
0x6b: {  	[tilespmem:s31], [sflag:$0x2] =	stream.indirect_vreg.gather [hbm4b:s29+s8], $0x80, v6, vm0, $0xb8;
	[tilespmem:$0x19480] =	vst v63  }
.LBB2_2:
0x6c: {  	s0 =	simm.s32 $0x1  }
0x6d: {  	_ =	swait.ge [sflag:s0], $0x8000  }
0x6e: {  	s8 =	smul.u32 $0x3, s1;
	p0 =	seq.s32 s1, $0x0;
	[sflag:s0] =	ssyncset.done $0x0  }
0x6f: {  	[sflag:s0] =	ssyncadd.s32 $0xFFFF8000;
	s0 =	simm.s32 @!p0 $0x6  }
0x70: {  	s31 =	sadd.s32 $0x2, s8;
	_ =	swait.ge @!p0 [sflag:s0], $0x8000  }
0x71: {  	s2 =	sshll.u32 s31, $0x7;
	[sflag:s0] =	ssyncset.done @!p0 $0x0  }
0x72: {  	s21 =	sand.u32 $0x3FFFFF80, s2;
	[sflag:s0] =	ssyncadd.s32 @!p0 $0xFFFF8000  }
0x73: {  	v6 =	vld.msk [tilespmem:s21+$0x0], $0xf;
	_ =	sdelay $0x4  }
0x74: {  	v7 =	vshll.u32 v6, $0x6  }
0x75: {  	v6 =	vand.u32 $0x7, v6;
	v7 =	vand.u32 $0xFFFFFE00, v7  }
0x76: {  	v6 =	vor.u32 v6, v7  }
0x77: {  	v6 =	vperm.xlane v6, v0;
	_ =	sdelay $0x1  }
0x78: {  	v6 =	vadd.s32 v1, v6;
	_ =	sdelay $0x3  }
0x79: {  	s2 =	simm.s32 $0x0  }
0x7a: {  	[tilespmem:s25], [sflag:$0x3] =	stream.indirect_vreg.gather [hbm4b:s23+s2], $0x80, v6, vm0, $0xb8;
	[tilespmem:$0x19480] =	vst v63  }
0x7b: {  	s25 =	simm.s32 $0x11C80  }
0x7c: {  	[tilespmem:s25], [sflag:$0x3] =	stream.indirect_vreg.gather [hbm4b:s9+s2], $0x80, v6, vm0, $0xb8;
	[tilespmem:$0x19480] =	vst v63  }
0x7d: {  	s3 =	simm.s32 $0x12480  }
0x7e: {  	[tilespmem:s3], [sflag:$0x3] =	stream.indirect_vreg.gather [hbm4b:s10+s2], $0x80, v6, vm0, $0xb8;
	[tilespmem:$0x19480] =	vst v63  }
0x7f: {  	s7 =	simm.s32 $0x12C80  }
0x80: {  	[tilespmem:s7], [sflag:$0x3] =	stream.indirect_vreg.gather [hbm4b:s11+s2], $0x80, v6, vm0, $0xb8;
	[tilespmem:$0x19480] =	vst v63  }
0x81: {  	s21 =	simm.s32 $0x13480  }
0x82: {  	[tilespmem:s21], [sflag:$0x3] =	stream.indirect_vreg.gather [hbm4b:s12+s2], $0x80, v6, vm0, $0xb8;
	[tilespmem:$0x19480] =	vst v63  }
0x83: {  	s25 =	simm.s32 $0x13C80  }
0x84: {  	[tilespmem:s25], [sflag:$0x3] =	stream.indirect_vreg.gather [hbm4b:s13+s2], $0x80, v6, vm0, $0xb8;
	[tilespmem:$0x19480] =	vst v63  }
0x85: {  	s3 =	simm.s32 $0x14480  }
0x86: {  	[tilespmem:s3], [sflag:$0x3] =	stream.indirect_vreg.gather [hbm4b:s14+s2], $0x80, v6, vm0, $0xb8;
	[tilespmem:$0x19480] =	vst v63  }
0x87: {  	s7 =	simm.s32 $0x14C80  }
0x88: {  	[tilespmem:s7], [sflag:$0x3] =	stream.indirect_vreg.gather [hbm4b:s15+s2], $0x80, v6, vm0, $0xb8;
	[tilespmem:$0x19480] =	vst v63  }
0x89: {  	s21 =	simm.s32 $0x15480  }
0x8a: {  	[tilespmem:s21], [sflag:$0x3] =	stream.indirect_vreg.gather [hbm4b:s16+s2], $0x80, v6, vm0, $0xb8;
	[tilespmem:$0x19480] =	vst v63  }
0x8b: {  	s25 =	simm.s32 $0x15C80  }
0x8c: {  	[tilespmem:s25], [sflag:$0x3] =	stream.indirect_vreg.gather [hbm4b:s17+s2], $0x80, v6, vm0, $0xb8;
	[tilespmem:$0x19480] =	vst v63  }
0x8d: {  	s3 =	simm.s32 $0x16480  }
0x8e: {  	[tilespmem:s3], [sflag:$0x3] =	stream.indirect_vreg.gather [hbm4b:s18+s2], $0x80, v6, vm0, $0xb8;
	[tilespmem:$0x19480] =	vst v63  }
0x8f: {  	s7 =	simm.s32 $0x16C80  }
0x90: {  	[tilespmem:s7], [sflag:$0x3] =	stream.indirect_vreg.gather [hbm4b:s19+s2], $0x80, v6, vm0, $0xb8;
	[tilespmem:$0x19480] =	vst v63  }
0x91: {  	s21 =	simm.s32 $0x17480  }
0x92: {  	[tilespmem:s21], [sflag:$0x3] =	stream.indirect_vreg.gather [hbm4b:s20+s2], $0x80, v6, vm0, $0xb8;
	[tilespmem:$0x19480] =	vst v63  }
0x93: {  	s25 =	simm.s32 $0x17C80  }
0x94: {  	[tilespmem:s25], [sflag:$0x3] =	stream.indirect_vreg.gather [hbm4b:s26+s2], $0x80, v6, vm0, $0xb8;
	[tilespmem:$0x19480] =	vst v63  }
0x95: {  	s3 =	simm.s32 $0x18480  }
0x96: {  	[tilespmem:s3], [sflag:$0x3] =	stream.indirect_vreg.gather [hbm4b:s28+s2], $0x80, v6, vm0, $0xb8;
	[tilespmem:$0x19480] =	vst v63  }
0x97: {  	s7 =	simm.s32 $0x18C80;
	s21 =	sshll.u32 s1, $0x6;
	s25 =	sadd.s32 s6, s8  }
0x98: {  	[tilespmem:s7], [sflag:$0x3] =	stream.indirect_vreg.gather [hbm4b:s29+s2], $0x80, v6, vm0, $0xb8;
	[tilespmem:$0x19480] =	vst v63  }
0x99: {  	s0 =	sand.u32 $0x40, s21;
	s3 =	sshll.u32 s25, $0xC;
	s7 =	rddreg [dreg:$0x2]  }
0x9a: {  	s3 =	sand.u32 $0xFFFE000, s3;
	s0 =	sadd.s32 s7, s0  }
0x9b: {  	s21 =	simm.s32 $0x400;
	s7 =	simm.s32 $0x200;
	s3 =	sadd.s32 s3, s0  }
0x9c: {  	[hbm4b:s3+s7] =	stream.strided.scatter [tilespmem:s24], [sflag:$0x4], $0x8000, s21, s7, $0x38;
	[tilespmem:$0x19480] =	vst v63  }
0x9d: {  	s7 =	sand.u32 $0x70, s2;
	s2 =	sand.u32 $0x7E00, s2  }
0x9e: {  	s2 =	sor.u32 s7, s2  }
0x9f: {  	v6 =	vld [tilespmem:s2+$0x1600]  }
0xa0: {  	s21 =	simm.s32 $0x10;
	s24 =	simm.s32 $0x40;
	v7 =	vld [tilespmem:s2+$0x1480]  }
0xa1: {  	s3 =	sand.u32 $0x70, s21;
	s7 =	sand.u32 $0x7E00, s24;
	v8 =	vld [tilespmem:s2+$0x1500]  }
0xa2: {  	v9 =	vld [tilespmem:s2+$0x1580];
	s7 =	sor.u32 s3, s7  }
0xa3: {  	v10 =	vld [tilespmem:s7+$0x1600]  }
0xa4: {  	v11 =	vld [tilespmem:s7+$0x1480];
	v6 =	vmul.f32 $1.442695020e+00, v6  }
0xa5: {  	v7 =	vmul.f32 $1.442695020e+00, v7  }
0xa6: {  	v8 =	vmul.f32 $1.442695020e+00, v8;
	(erf) = vpow2.f32 v6  }
0xa7: {  	v12 =	vld [tilespmem:s7+$0x1500];
	v6 =	vmul.f32 $1.442695020e+00, v9;
	(erf) = vpow2.f32 v7  }
0xa8: {  	v14 =	vld [tilespmem:s7+$0x1580];
	v7 =	vmul.f32 $1.442695020e+00, v10;
	(erf) = vpow2.f32 v8  }
0xa9: {  	s21 =	simm.s32 $0x20;
	s7 =	simm.s32 $0x80;
	v8 =	vmul.f32 $1.442695020e+00, v11;
	(erf) = vpow2.f32 v6  }
0xaa: {  	s2 =	sand.u32 $0x70, s21;
	s24 =	sand.u32 $0x7E00, s7;
	(erf) = vpow2.f32 v7  }
0xab: {  	s3 =	sor.u32 s2, s24;
	(erf) = vpow2.f32 v8  }
0xac: {  	v10 =	vld [tilespmem:s3+$0x1600]  }
0xad: {  	v13 =	vmul.f32 $1.442695020e+00, v12;
	v14 =	vmul.f32 $1.442695020e+00, v14;
	v9 =	vimm.f32 $0.0e+00;
	v11 =	vld [tilespmem:s3+$0x1480]  }
0xae: {  	s22 =	simm.s32 $0x1000;
	s21 =	simm.s32 $0x30;
	v12 =	vld [tilespmem:s3+$0x1500];
	v6 =	vimm.f32 $0.0e+00;
	v7 =	vimm.f32 $0.0e+00;
	v8 =	vimm.f32 $0.0e+00  }
.LBB2_3:
0xaf: {  	s2 =	sand.u32 $0x70, s21;
	v15 =	vld [tilespmem:s3+$0x1580];
	s7 =	sadd.s32 $0x40, s7;
	(erf) = vpow2.f32 v13;
	p0 =	sne.s32 s21, $0x1FF0  }
.Ltmp0:
0xb0: {  	s21 =	sadd.s32 $0x10, s21;
	s3 =	sand.u32 $0x7E00, s7;
	(erf) = vpow2.f32 v14;
	v13 =	vpop (erf);
	(pc) =	sbr.rel @p0 .LBB2_3-.Ltmp0, $4  }
0xb1: {  	s3 =	sor.u32 s2, s3;
	v14 =	vmul.f32 $1.442695020e+00, v10;
	v6 =	vadd.f32 v13, v6;
	v13 =	vpop (erf)  }
0xb2: {  	v10 =	vld [tilespmem:s3+$0x1600];
	v16 =	vmul.f32 $1.442695020e+00, v11;
	v9 =	vadd.f32 v13, v9;
	v17 =	vpop (erf)  }
0xb3: {  	v11 =	vld [tilespmem:s3+$0x1480];
	v13 =	vmul.f32 $1.442695020e+00, v12;
	(erf) = vpow2.f32 v14;
	v8 =	vadd.f32 v17, v8;
	v17 =	vpop (erf)  }
0xb4: {  	v12 =	vld [tilespmem:s3+$0x1500];
	v14 =	vmul.f32 $1.442695020e+00, v15;
	(erf) = vpow2.f32 v16;
	v7 =	vadd.f32 v17, v7  }
0xb5: {  	v15 =	vld [tilespmem:s3+$0x1580];
	_ =	sdelay $0x1  }
0xb6: {  	v10 =	vmul.f32 $1.442695020e+00, v10  }
0xb7: {  	(erf) = vpow2.f32 v13;
	v11 =	vmul.f32 $1.442695020e+00, v11  }
0xb8: {  	(erf) = vpow2.f32 v14;
	v12 =	vmul.f32 $1.442695020e+00, v12  }
0xb9: {  	(erf) = vpow2.f32 v10;
	v13 =	vmul.f32 $1.442695020e+00, v15  }
0xba: {  	v10 =	vpop (erf);
	(erf) = vpow2.f32 v11  }
0xbb: {  	v11 =	vpop (erf);
	(erf) = vpow2.f32 v12  }
0xbc: {  	v12 =	vpop (erf);
	(erf) = vpow2.f32 v13  }
0xbd: {  	v13 =	vpop (erf)  }
0xbe: {  	v14 =	vpop (erf)  }
0xbf: {  	v6 =	vadd.f32 v10, v6;
	v15 =	vpop (erf)  }
0xc0: {  	v9 =	vadd.f32 v11, v9;
	v11 =	vpop (erf)  }
0xc1: {  	v8 =	vadd.f32 v12, v8;
	v6 =	vadd.f32 v14, v6;
	v12 =	vpop (erf)  }
0xc2: {  	s2 =	smul.u32 $0xC, s1;
	v7 =	vadd.f32 v13, v7;
	v9 =	vadd.f32 v15, v9;
	v13 =	vpop (erf)  }
0xc3: {  	v8 =	vadd.f32 v11, v8;
	v10 =	vpop (erf);
	v6 =	vadd.f32 v13, v6  }
0xc4: {  	v11 =	vor.u32 s2, v2;
	v7 =	vadd.f32 v12, v7;
	v9 =	vadd.f32 v10, v9;
	v10 =	vpop (erf)  }
0xc5: {  	v8 =	vadd.f32 v10, v8;
	v10 =	vpop (erf);
	[tilespmem:$0x1200] =	vst v6  }
0xc6: {  	v7 =	vadd.f32 v10, v7;
	[tilespmem:$0x1080] =	vst v9  }
0xc7: {  	[tilespmem:$0x1100] =	vst v8  }
0xc8: {  	[tilespmem:$0x1180] =	vst v7  }
0xc9: {  	v6 =	vld.idx.msk [tilespmem:v11+s22+$0x0], $0xf;
	_ =	sdelay $0x4  }
0xca: {  	v7 =	vshll.u32 v6, $0x2  }
0xcb: {  	v6 =	vand.u32 $0x7F, v6;
	v7 =	vand.u32 $0xFFFFFE00, v7  }
0xcc: {  	v6 =	vor.u32 v6, v7  }
0xcd: {  	v6 =	vadd.s32 v3, v6;
	_ =	sdelay $0x3  }
0xce: {  	s7 =	simm.s32 $0x1480  }
0xcf: {  	v6 =	vld.idx.msk [tilespmem:v6+s7+$0x0], $0xf;
	_ =	sdelay $0x4  }
0xd0: {  	s24 =	sshll.u32 s25, $0x7;
	v6 =	vnsel vm1, $0x0, v6  }
0xd1: {  	s3 =	simm.s32 $0x0;
	s21 =	simm.s32 $0x1080;
	s2 =	sadd.s32 s5, s24;
	[tilespmem:$0x1280] =	vst v6  }
0xd2: {  	[hbm4b:s2+s3] =	stream.linear.scatter [tilespmem:s21], [sflag:$0x7], $0x280, $0x38;
	[tilespmem:$0x19480] =	vst v63  }
0xd3: {  	_ =	swait.ge [sflag:s30], $0x280  }
0xd4: {  	[sflag:s30] =	ssyncset.done $0x0  }
0xd5: {  	s25 =	simm.s32 $0x2;
	[sflag:s30] =	ssyncadd.s32 $0xFFFFFD80  }
0xd6: {  	_ =	swait.ge [sflag:s25], $0x8000  }
0xd7: {  	[sflag:s25] =	ssyncset.done $0x0  }
0xd8: {  	s2 =	simm.s32 $0x4;
	[sflag:s25] =	ssyncadd.s32 $0xFFFF8000  }
0xd9: {  	s22 =	smul.u32 $0x600, s1;
	_ =	swait.ge [sflag:s2], $0x8000  }
0xda: {  	[sflag:s2] =	ssyncset.done $0x0  }
0xdb: {  	s25 =	sshra.s32 s22, $0x2;
	[sflag:s2] =	ssyncadd.s32 $0xFFFF8000  }
0xdc: {  	v6 =	vld.msk [tilespmem:s25+$0x180], $0xf;
	_ =	sdelay $0x4  }
0xdd: {  	v7 =	vshll.u32 v6, $0x6  }
0xde: {  	v6 =	vand.u32 $0x7, v6;
	v7 =	vand.u32 $0xFFFFFE00, v7  }
0xdf: {  	v6 =	vor.u32 v6, v7  }
0xe0: {  	v6 =	vperm.xlane v6, v0;
	_ =	sdelay $0x1  }
0xe1: {  	v6 =	vadd.s32 v1, v6;
	_ =	sdelay $0x4  }
0xe2: {  	[tilespmem:s7], [sflag:$0x1] =	stream.indirect_vreg.gather [hbm4b:s23+s3], $0x80, v6, vm0, $0xb8;
	[tilespmem:$0x19480] =	vst v63  }
0xe3: {  	s22 =	smov.u32 s23;
	s23 =	simm.s32 $0x1C80  }
0xe4: {  	[tilespmem:s23], [sflag:$0x1] =	stream.indirect_vreg.gather [hbm4b:s9+s3], $0x80, v6, vm0, $0xb8;
	[tilespmem:$0x19480] =	vst v63  }
0xe5: {  	s7 =	simm.s32 $0x2480  }
0xe6: {  	[tilespmem:s7], [sflag:$0x1] =	stream.indirect_vreg.gather [hbm4b:s10+s3], $0x80, v6, vm0, $0xb8;
	[tilespmem:$0x19480] =	vst v63  }
0xe7: {  	s21 =	simm.s32 $0x2C80  }
0xe8: {  	[tilespmem:s21], [sflag:$0x1] =	stream.indirect_vreg.gather [hbm4b:s11+s3], $0x80, v6, vm0, $0xb8;
	[tilespmem:$0x19480] =	vst v63  }
0xe9: {  	s23 =	simm.s32 $0x3480  }
0xea: {  	[tilespmem:s23], [sflag:$0x1] =	stream.indirect_vreg.gather [hbm4b:s12+s3], $0x80, v6, vm0, $0xb8;
	[tilespmem:$0x19480] =	vst v63  }
0xeb: {  	s7 =	simm.s32 $0x3C80  }
0xec: {  	[tilespmem:s7], [sflag:$0x1] =	stream.indirect_vreg.gather [hbm4b:s13+s3], $0x80, v6, vm0, $0xb8;
	[tilespmem:$0x19480] =	vst v63  }
0xed: {  	s21 =	simm.s32 $0x4480  }
0xee: {  	[tilespmem:s21], [sflag:$0x1] =	stream.indirect_vreg.gather [hbm4b:s14+s3], $0x80, v6, vm0, $0xb8;
	[tilespmem:$0x19480] =	vst v63  }
0xef: {  	s23 =	simm.s32 $0x4C80  }
0xf0: {  	[tilespmem:s23], [sflag:$0x1] =	stream.indirect_vreg.gather [hbm4b:s15+s3], $0x80, v6, vm0, $0xb8;
	[tilespmem:$0x19480] =	vst v63  }
0xf1: {  	s7 =	simm.s32 $0x5480  }
0xf2: {  	[tilespmem:s7], [sflag:$0x1] =	stream.indirect_vreg.gather [hbm4b:s16+s3], $0x80, v6, vm0, $0xb8;
	[tilespmem:$0x19480] =	vst v63  }
0xf3: {  	s21 =	simm.s32 $0x5C80  }
0xf4: {  	[tilespmem:s21], [sflag:$0x1] =	stream.indirect_vreg.gather [hbm4b:s17+s3], $0x80, v6, vm0, $0xb8;
	[tilespmem:$0x19480] =	vst v63  }
0xf5: {  	s23 =	simm.s32 $0x6480  }
0xf6: {  	[tilespmem:s23], [sflag:$0x1] =	stream.indirect_vreg.gather [hbm4b:s18+s3], $0x80, v6, vm0, $0xb8;
	[tilespmem:$0x19480] =	vst v63  }
0xf7: {  	s7 =	simm.s32 $0x6C80  }
0xf8: {  	[tilespmem:s7], [sflag:$0x1] =	stream.indirect_vreg.gather [hbm4b:s19+s3], $0x80, v6, vm0, $0xb8;
	[tilespmem:$0x19480] =	vst v63  }
0xf9: {  	s21 =	simm.s32 $0x7480  }
0xfa: {  	[tilespmem:s21], [sflag:$0x1] =	stream.indirect_vreg.gather [hbm4b:s20+s3], $0x80, v6, vm0, $0xb8;
	[tilespmem:$0x19480] =	vst v63  }
0xfb: {  	s23 =	simm.s32 $0x7C80  }
0xfc: {  	[tilespmem:s23], [sflag:$0x1] =	stream.indirect_vreg.gather [hbm4b:s26+s3], $0x80, v6, vm0, $0xb8;
	[tilespmem:$0x19480] =	vst v63  }
0xfd: {  	s7 =	simm.s32 $0x8480  }
0xfe: {  	[tilespmem:s7], [sflag:$0x1] =	stream.indirect_vreg.gather [hbm4b:s28+s3], $0x80, v6, vm0, $0xb8;
	[tilespmem:$0x19480] =	vst v63  }
0xff: {  	s7 =	sadd.s32 $0x1, s8;
	s8 =	simm.s32 $0x8C80  }
0x100: {  	[tilespmem:s8], [sflag:$0x1] =	stream.indirect_vreg.gather [hbm4b:s29+s3], $0x80, v6, vm0, $0xb8;
	[tilespmem:$0x19480] =	vst v63  }
0x101: {  	s8 =	sadd.s32 s6, s7  }
0x102: {  	s21 =	sshll.u32 s7, $0x6;
	s23 =	sshll.u32 s8, $0xC  }
0x103: {  	s2 =	sand.u32 $0x40, s21;
	s21 =	sand.u32 $0xFFFE000, s23;
	s23 =	rddreg [dreg:$0x2]  }
0x104: {  	s2 =	sadd.s32 s23, s2  }
0x105: {  	s23 =	simm.s32 $0x400;
	s2 =	sadd.s32 s21, s2;
	s21 =	simm.s32 $0x200  }
0x106: {  	[hbm4b:s2+s21] =	stream.strided.scatter [tilespmem:s4], [sflag:$0x5], $0x8000, s23, s21, $0x38;
	[tilespmem:$0x19480] =	vst v63  }
0x107: {  	s4 =	sand.u32 $0x70, s3;
	s3 =	sand.u32 $0x7E00, s3  }
0x108: {  	s2 =	sor.u32 s4, s3  }
0x109: {  	v6 =	vld [tilespmem:s2+$0x9600]  }
0x10a: {  	s21 =	simm.s32 $0x10;
	s23 =	simm.s32 $0x40;
	v7 =	vld [tilespmem:s2+$0x9480]  }
0x10b: {  	s3 =	sand.u32 $0x70, s21;
	s21 =	sand.u32 $0x7E00, s23;
	v8 =	vld [tilespmem:s2+$0x9500]  }
0x10c: {  	v9 =	vld [tilespmem:s2+$0x9580];
	s4 =	sor.u32 s3, s21  }
0x10d: {  	v10 =	vld [tilespmem:s4+$0x9600]  }
0x10e: {  	v11 =	vld [tilespmem:s4+$0x9480];
	v6 =	vmul.f32 $1.442695020e+00, v6  }
0x10f: {  	v7 =	vmul.f32 $1.442695020e+00, v7  }
0x110: {  	v8 =	vmul.f32 $1.442695020e+00, v8;
	(erf) = vpow2.f32 v6  }
0x111: {  	v12 =	vld [tilespmem:s4+$0x9500];
	v6 =	vmul.f32 $1.442695020e+00, v9;
	(erf) = vpow2.f32 v7  }
0x112: {  	v14 =	vld [tilespmem:s4+$0x9580];
	v7 =	vmul.f32 $1.442695020e+00, v10;
	(erf) = vpow2.f32 v8  }
0x113: {  	s21 =	simm.s32 $0x20;
	s3 =	simm.s32 $0x80;
	v8 =	vmul.f32 $1.442695020e+00, v11;
	(erf) = vpow2.f32 v6  }
0x114: {  	s2 =	sand.u32 $0x70, s21;
	s23 =	sand.u32 $0x7E00, s3;
	(erf) = vpow2.f32 v7  }
0x115: {  	s21 =	sor.u32 s2, s23;
	(erf) = vpow2.f32 v8  }
0x116: {  	v10 =	vld [tilespmem:s21+$0x9600]  }
0x117: {  	v13 =	vmul.f32 $1.442695020e+00, v12;
	v14 =	vmul.f32 $1.442695020e+00, v14;
	v9 =	vimm.f32 $0.0e+00;
	v11 =	vld [tilespmem:s21+$0x9480]  }
0x118: {  	s24 =	simm.s32 $0x1480;
	s2 =	simm.s32 $0x30;
	v12 =	vld [tilespmem:s21+$0x9500];
	v6 =	vimm.f32 $0.0e+00;
	v7 =	vimm.f32 $0.0e+00;
	v8 =	vimm.f32 $0.0e+00  }
.LBB2_5:
0x119: {  	s23 =	sand.u32 $0x70, s2;
	v15 =	vld [tilespmem:s21+$0x9580];
	s3 =	sadd.s32 $0x40, s3;
	(erf) = vpow2.f32 v13;
	p0 =	sne.s32 s2, $0x1FF0  }
.Ltmp1:
0x11a: {  	s2 =	sadd.s32 $0x10, s2;
	s21 =	sand.u32 $0x7E00, s3;
	(erf) = vpow2.f32 v14;
	v13 =	vpop (erf);
	(pc) =	sbr.rel @p0 .LBB2_5-.Ltmp1, $4  }
0x11b: {  	s21 =	sor.u32 s23, s21;
	v14 =	vmul.f32 $1.442695020e+00, v10;
	v6 =	vadd.f32 v13, v6;
	v13 =	vpop (erf)  }
0x11c: {  	v10 =	vld [tilespmem:s21+$0x9600];
	v16 =	vmul.f32 $1.442695020e+00, v11;
	v9 =	vadd.f32 v13, v9;
	v17 =	vpop (erf)  }
0x11d: {  	v11 =	vld [tilespmem:s21+$0x9480];
	v13 =	vmul.f32 $1.442695020e+00, v12;
	(erf) = vpow2.f32 v14;
	v8 =	vadd.f32 v17, v8;
	v17 =	vpop (erf)  }
0x11e: {  	v12 =	vld [tilespmem:s21+$0x9500];
	v14 =	vmul.f32 $1.442695020e+00, v15;
	(erf) = vpow2.f32 v16;
	v7 =	vadd.f32 v17, v7  }
0x11f: {  	v15 =	vld [tilespmem:s21+$0x9580];
	_ =	sdelay $0x1  }
0x120: {  	v10 =	vmul.f32 $1.442695020e+00, v10  }
0x121: {  	(erf) = vpow2.f32 v13;
	v11 =	vmul.f32 $1.442695020e+00, v11  }
0x122: {  	(erf) = vpow2.f32 v14;
	v12 =	vmul.f32 $1.442695020e+00, v12  }
0x123: {  	(erf) = vpow2.f32 v10;
	v13 =	vmul.f32 $1.442695020e+00, v15  }
0x124: {  	v10 =	vpop (erf);
	(erf) = vpow2.f32 v11  }
0x125: {  	v11 =	vpop (erf);
	(erf) = vpow2.f32 v12  }
0x126: {  	v12 =	vpop (erf);
	(erf) = vpow2.f32 v13  }
0x127: {  	v13 =	vpop (erf)  }
0x128: {  	v14 =	vpop (erf)  }
0x129: {  	v6 =	vadd.f32 v10, v6;
	v15 =	vpop (erf)  }
0x12a: {  	v9 =	vadd.f32 v11, v9;
	v11 =	vpop (erf)  }
0x12b: {  	v8 =	vadd.f32 v12, v8;
	v6 =	vadd.f32 v14, v6;
	v12 =	vpop (erf)  }
0x12c: {  	v7 =	vadd.f32 v13, v7;
	v9 =	vadd.f32 v15, v9;
	v13 =	vpop (erf)  }
0x12d: {  	s2 =	sshll.u32 s7, $0x2;
	v8 =	vadd.f32 v11, v8;
	v10 =	vpop (erf);
	v6 =	vadd.f32 v13, v6  }
0x12e: {  	v11 =	vor.u32 s2, v2;
	v7 =	vadd.f32 v12, v7;
	v9 =	vadd.f32 v10, v9;
	v10 =	vpop (erf)  }
0x12f: {  	v8 =	vadd.f32 v10, v8;
	v10 =	vpop (erf);
	[tilespmem:$0x1200] =	vst v6  }
0x130: {  	v7 =	vadd.f32 v10, v7;
	[tilespmem:$0x1080] =	vst v9  }
0x131: {  	[tilespmem:$0x1100] =	vst v8  }
0x132: {  	s21 =	simm.s32 $0x1000;
	[tilespmem:$0x1180] =	vst v7  }
0x133: {  	v6 =	vld.idx.msk [tilespmem:v11+s21+$0x0], $0xf;
	_ =	sdelay $0x4  }
0x134: {  	v7 =	vshll.u32 v6, $0x2  }
0x135: {  	v6 =	vand.u32 $0x7F, v6;
	v7 =	vand.u32 $0xFFFFFE00, v7  }
0x136: {  	v6 =	vor.u32 v6, v7  }
0x137: {  	v6 =	vadd.s32 v3, v6;
	_ =	sdelay $0x3  }
0x138: {  	s7 =	simm.s32 $0x9480  }
0x139: {  	v6 =	vld.idx.msk [tilespmem:v6+s7+$0x0], $0xf;
	_ =	sdelay $0x3  }
0x13a: {  	s8 =	sshll.u32 s8, $0x7  }
0x13b: {  	s2 =	sand.u32 $0x1FFFFF80, s8;
	v6 =	vnsel vm1, $0x0, v6  }
0x13c: {  	s3 =	simm.s32 $0x0;
	s4 =	simm.s32 $0x1080;
	s2 =	sadd.s32 s5, s2;
	[tilespmem:$0x1280] =	vst v6  }
0x13d: {  	[hbm4b:s2+s3] =	stream.linear.scatter [tilespmem:s4], [sflag:$0x7], $0x280, $0x38;
	[tilespmem:$0x19480] =	vst v63  }
0x13e: {  	_ =	swait.ge [sflag:s30], $0x280  }
0x13f: {  	[sflag:s30] =	ssyncset.done $0x0  }
0x140: {  	s23 =	simm.s32 $0x3;
	[sflag:s30] =	ssyncadd.s32 $0xFFFFFD80  }
0x141: {  	_ =	swait.ge [sflag:s23], $0x8000  }
0x142: {  	[sflag:s23] =	ssyncset.done $0x0  }
0x143: {  	s4 =	simm.s32 $0x5;
	[sflag:s23] =	ssyncadd.s32 $0xFFFF8000  }
0x144: {  	_ =	swait.ge [sflag:s4], $0x8000  }
0x145: {  	[sflag:s4] =	ssyncset.done $0x0  }
0x146: {  	[sflag:s4] =	ssyncadd.s32 $0xFFFF8000  }
0x147: {  	v6 =	vld.msk [tilespmem:s25+$0x200], $0xf;
	_ =	sdelay $0x4  }
0x148: {  	v7 =	vshll.u32 v6, $0x6  }
0x149: {  	v6 =	vand.u32 $0x7, v6;
	v7 =	vand.u32 $0xFFFFFE00, v7  }
0x14a: {  	v6 =	vor.u32 v6, v7  }
0x14b: {  	v6 =	vperm.xlane v6, v0;
	_ =	sdelay $0x1  }
0x14c: {  	v6 =	vadd.s32 v1, v6;
	_ =	sdelay $0x4  }
0x14d: {  	[tilespmem:s7], [sflag:$0x2] =	stream.indirect_vreg.gather [hbm4b:s22+s3], $0x80, v6, vm0, $0xb8;
	[tilespmem:$0x19480] =	vst v63  }
0x14e: {  	s7 =	simm.s32 $0x9C80  }
0x14f: {  	[tilespmem:s7], [sflag:$0x2] =	stream.indirect_vreg.gather [hbm4b:s9+s3], $0x80, v6, vm0, $0xb8;
	[tilespmem:$0x19480] =	vst v63  }
0x150: {  	s8 =	simm.s32 $0xA480  }
0x151: {  	[tilespmem:s8], [sflag:$0x2] =	stream.indirect_vreg.gather [hbm4b:s10+s3], $0x80, v6, vm0, $0xb8;
	[tilespmem:$0x19480] =	vst v63  }
0x152: {  	s23 =	smov.u32 s22;
	s22 =	simm.s32 $0xAC80  }
0x153: {  	[tilespmem:s22], [sflag:$0x2] =	stream.indirect_vreg.gather [hbm4b:s11+s3], $0x80, v6, vm0, $0xb8;
	[tilespmem:$0x19480] =	vst v63  }
0x154: {  	s25 =	simm.s32 $0xB480  }
0x155: {  	[tilespmem:s25], [sflag:$0x2] =	stream.indirect_vreg.gather [hbm4b:s12+s3], $0x80, v6, vm0, $0xb8;
	[tilespmem:$0x19480] =	vst v63  }
0x156: {  	s7 =	simm.s32 $0xBC80  }
0x157: {  	[tilespmem:s7], [sflag:$0x2] =	stream.indirect_vreg.gather [hbm4b:s13+s3], $0x80, v6, vm0, $0xb8;
	[tilespmem:$0x19480] =	vst v63  }
0x158: {  	s8 =	simm.s32 $0xC480  }
0x159: {  	[tilespmem:s8], [sflag:$0x2] =	stream.indirect_vreg.gather [hbm4b:s14+s3], $0x80, v6, vm0, $0xb8;
	[tilespmem:$0x19480] =	vst v63  }
0x15a: {  	s22 =	simm.s32 $0xCC80  }
0x15b: {  	[tilespmem:s22], [sflag:$0x2] =	stream.indirect_vreg.gather [hbm4b:s15+s3], $0x80, v6, vm0, $0xb8;
	[tilespmem:$0x19480] =	vst v63  }
0x15c: {  	s25 =	simm.s32 $0xD480  }
0x15d: {  	[tilespmem:s25], [sflag:$0x2] =	stream.indirect_vreg.gather [hbm4b:s16+s3], $0x80, v6, vm0, $0xb8;
	[tilespmem:$0x19480] =	vst v63  }
0x15e: {  	s7 =	simm.s32 $0xDC80  }
0x15f: {  	[tilespmem:s7], [sflag:$0x2] =	stream.indirect_vreg.gather [hbm4b:s17+s3], $0x80, v6, vm0, $0xb8;
	[tilespmem:$0x19480] =	vst v63  }
0x160: {  	s8 =	simm.s32 $0xE480  }
0x161: {  	[tilespmem:s8], [sflag:$0x2] =	stream.indirect_vreg.gather [hbm4b:s18+s3], $0x80, v6, vm0, $0xb8;
	[tilespmem:$0x19480] =	vst v63  }
0x162: {  	s22 =	simm.s32 $0xEC80  }
0x163: {  	[tilespmem:s22], [sflag:$0x2] =	stream.indirect_vreg.gather [hbm4b:s19+s3], $0x80, v6, vm0, $0xb8;
	[tilespmem:$0x19480] =	vst v63  }
0x164: {  	s25 =	simm.s32 $0xF480  }
0x165: {  	[tilespmem:s25], [sflag:$0x2] =	stream.indirect_vreg.gather [hbm4b:s20+s3], $0x80, v6, vm0, $0xb8;
	[tilespmem:$0x19480] =	vst v63  }
0x166: {  	s7 =	simm.s32 $0xFC80  }
0x167: {  	[tilespmem:s7], [sflag:$0x2] =	stream.indirect_vreg.gather [hbm4b:s26+s3], $0x80, v6, vm0, $0xb8;
	[tilespmem:$0x19480] =	vst v63  }
0x168: {  	s8 =	simm.s32 $0x10480  }
0x169: {  	[tilespmem:s8], [sflag:$0x2] =	stream.indirect_vreg.gather [hbm4b:s28+s3], $0x80, v6, vm0, $0xb8;
	[tilespmem:$0x19480] =	vst v63  }
0x16a: {  	s8 =	sadd.s32 s6, s31  }
0x16b: {  	s22 =	simm.s32 $0x10C80;
	s7 =	simm.s32 $0x200;
	s25 =	sshll.u32 s8, $0xC  }
0x16c: {  	[tilespmem:s22], [sflag:$0x2] =	stream.indirect_vreg.gather [hbm4b:s29+s3], $0x80, v6, vm0, $0xb8;
	[tilespmem:$0x19480] =	vst v63  }
0x16d: {  	s2 =	sand.u32 $0xFFFE000, s25;
	s25 =	simm.s32 $0x11480;
	s22 =	simm.s32 $0x400  }
0x16e: {  	s0 =	sadd.s32 s2, s0;
	s2 =	sand.u32 $0x70, s3;
	s3 =	sand.u32 $0x7E00, s3  }
0x16f: {  	[hbm4b:s0+s7] =	stream.strided.scatter [tilespmem:s25], [sflag:$0x6], $0x8000, s22, s7, $0x38;
	[tilespmem:$0x19480] =	vst v63  }
0x170: {  	s0 =	sor.u32 s2, s3  }
0x171: {  	s2 =	sadd.s32 $0x11480, s0;
	v6 =	vld [tilespmem:s0+$0x11480]  }
0x172: {  	s7 =	simm.s32 $0x10;
	s22 =	simm.s32 $0x40;
	v7 =	vld [tilespmem:s2+$0x180]  }
0x173: {  	s0 =	sand.u32 $0x70, s7;
	s3 =	sand.u32 $0x7E00, s22;
	v8 =	vld [tilespmem:s2+$0x80]  }
0x174: {  	v9 =	vld [tilespmem:s2+$0x100];
	s0 =	sor.u32 s0, s3  }
0x175: {  	s3 =	sadd.s32 $0x11480, s0;
	v10 =	vld [tilespmem:s0+$0x11480]  }
0x176: {  	v11 =	vld [tilespmem:s3+$0x180];
	v6 =	vmul.f32 $1.442695020e+00, v6  }
0x177: {  	v7 =	vmul.f32 $1.442695020e+00, v7  }
0x178: {  	v8 =	vmul.f32 $1.442695020e+00, v8;
	(erf) = vpow2.f32 v6  }
0x179: {  	v9 =	vmul.f32 $1.442695020e+00, v9;
	(erf) = vpow2.f32 v7  }
0x17a: {  	v12 =	vld [tilespmem:s3+$0x80];
	v7 =	vmul.f32 $1.442695020e+00, v10;
	(erf) = vpow2.f32 v8  }
0x17b: {  	s7 =	simm.s32 $0x20;
	s0 =	simm.s32 $0x80;
	v6 =	vld [tilespmem:s3+$0x100];
	v8 =	vmul.f32 $1.442695020e+00, v11;
	(erf) = vpow2.f32 v9  }
0x17c: {  	s2 =	sand.u32 $0x70, s7;
	s22 =	sand.u32 $0x7E00, s0;
	(erf) = vpow2.f32 v7  }
0x17d: {  	s3 =	sor.u32 s2, s22;
	(erf) = vpow2.f32 v8  }
0x17e: {  	s2 =	sadd.s32 $0x11480, s3;
	v10 =	vld [tilespmem:s3+$0x11480]  }
0x17f: {  	v13 =	vmul.f32 $1.442695020e+00, v12;
	v11 =	vld [tilespmem:s2+$0x180];
	v9 =	vimm.f32 $0.0e+00;
	v7 =	vimm.f32 $0.0e+00  }
0x180: {  	s4 =	simm.s32 $0x9480;
	s3 =	simm.s32 $0x30;
	v12 =	vld [tilespmem:s2+$0x80];
	v14 =	vmul.f32 $1.442695020e+00, v6;
	v6 =	vimm.f32 $0.0e+00;
	v8 =	vimm.f32 $0.0e+00  }
.LBB2_7:
0x181: {  	s7 =	sand.u32 $0x70, s3;
	v15 =	vld [tilespmem:s2+$0x100];
	s0 =	sadd.s32 $0x40, s0;
	(erf) = vpow2.f32 v13;
	p0 =	sne.s32 s3, $0x1FF0  }
.Ltmp2:
0x182: {  	s3 =	sadd.s32 $0x10, s3;
	s2 =	sand.u32 $0x7E00, s0;
	(erf) = vpow2.f32 v14;
	v13 =	vpop (erf);
	(pc) =	sbr.rel @p0 .LBB2_7-.Ltmp2, $4  }
0x183: {  	s7 =	sor.u32 s7, s2;
	v14 =	vmul.f32 $1.442695020e+00, v10;
	v7 =	vadd.f32 v13, v7;
	v13 =	vpop (erf)  }
0x184: {  	s2 =	sadd.s32 $0x11480, s7;
	v10 =	vld [tilespmem:s7+$0x11480];
	v16 =	vmul.f32 $1.442695020e+00, v11;
	v6 =	vadd.f32 v13, v6;
	v17 =	vpop (erf)  }
0x185: {  	v11 =	vld [tilespmem:s2+$0x180];
	v13 =	vmul.f32 $1.442695020e+00, v12;
	(erf) = vpow2.f32 v14;
	v9 =	vadd.f32 v17, v9;
	v17 =	vpop (erf)  }
0x186: {  	v12 =	vld [tilespmem:s2+$0x80];
	v14 =	vmul.f32 $1.442695020e+00, v15;
	(erf) = vpow2.f32 v16;
	v8 =	vadd.f32 v17, v8  }
0x187: {  	v15 =	vld [tilespmem:s2+$0x100];
	_ =	sdelay $0x1  }
0x188: {  	(erf) = vpow2.f32 v13;
	v10 =	vmul.f32 $1.442695020e+00, v10  }
0x189: {  	(erf) = vpow2.f32 v14;
	v11 =	vmul.f32 $1.442695020e+00, v11  }
0x18a: {  	v12 =	vmul.f32 $1.442695020e+00, v12;
	(erf) = vpow2.f32 v10  }
0x18b: {  	v50 =	vpop (erf);
	v51 =	vmul.f32 $1.442695020e+00, v15;
	(erf) = vpow2.f32 v11  }
0x18c: {  	v52 =	vpop (erf);
	(erf) = vpow2.f32 v12  }
0x18d: {  	v53 =	vpop (erf);
	(erf) = vpow2.f32 v51  }
0x18e: {  	v54 =	vpop (erf)  }
0x18f: {  	v55 =	vpop (erf)  }
0x190: {  	v7 =	vadd.f32 v50, v7;
	v56 =	vpop (erf)  }
0x191: {  	v6 =	vadd.f32 v52, v6;
	v57 =	vpop (erf)  }
0x192: {  	v9 =	vadd.f32 v53, v9;
	v7 =	vadd.f32 v55, v7;
	v58 =	vpop (erf)  }
0x193: {  	v8 =	vadd.f32 v54, v8;
	v6 =	vadd.f32 v56, v6;
	v59 =	vpop (erf)  }
0x194: {  	s0 =	sshll.u32 s31, $0x2;
	v9 =	vadd.f32 v57, v9;
	v60 =	vpop (erf);
	v7 =	vadd.f32 v59, v7  }
0x195: {  	v63 =	vor.u32 s0, v2;
	v8 =	vadd.f32 v58, v8;
	v61 =	vpop (erf);
	v6 =	vadd.f32 v60, v6  }
0x196: {  	v9 =	vadd.f32 v61, v9;
	v62 =	vpop (erf);
	[tilespmem:$0x1080] =	vst v7  }
0x197: {  	v8 =	vadd.f32 v62, v8;
	[tilespmem:$0x1200] =	vst v6  }
0x198: {  	[tilespmem:$0x1100] =	vst v9  }
0x199: {  	[tilespmem:$0x1180] =	vst v8  }
0x19a: {  	v6 =	vld.idx.msk [tilespmem:v63+s21+$0x0], $0xf;
	_ =	sdelay $0x4  }
0x19b: {  	v7 =	vshll.u32 v6, $0x2  }
0x19c: {  	v6 =	vand.u32 $0x7F, v6;
	v7 =	vand.u32 $0xFFFFFE00, v7  }
0x19d: {  	v6 =	vor.u32 v6, v7  }
0x19e: {  	v6 =	vadd.s32 v3, v6;
	_ =	sdelay $0x4  }
0x19f: {  	v6 =	vld.idx.msk [tilespmem:v6+s25+$0x0], $0xf;
	_ =	sdelay $0x3  }
0x1a0: {  	s22 =	sshll.u32 s8, $0x7;
	s1 =	sadd.s32 $0x1, s1  }
0x1a1: {  	s8 =	simm.s32 $0x0;
	s0 =	sand.u32 $0x1FFFFF80, s22;
	p0 =	sne.s32 s1, $0xA;
	v6 =	vnsel vm1, $0x0, v6  }
.Ltmp3:
0x1a2: {  	s31 =	simm.s32 $0x1080;
	s0 =	sadd.s32 s5, s0;
	[tilespmem:$0x1280] =	vst v6;
	(pc) =	sbr.rel @p0 .LBB2_2-.Ltmp3, $4  }
0x1a3: {  	[hbm4b:s0+s8] =	stream.linear.scatter [tilespmem:s31], [sflag:$0x7], $0x280, $0x38;
	[tilespmem:$0x19480] =	vst v63  }
0x1a4: {  	_ =	swait.ge [sflag:s30], $0x280  }
0x1a5: {  	[sflag:s30] =	ssyncset.done $0x0  }
0x1a6: {  	[sflag:s30] =	ssyncadd.s32 $0xFFFFFD80  }
0x1a7: {  	s0 =	simm.s32 $0x1  }
0x1a8: {  	_ =	swait.ge [sflag:s0], $0x8000  }
0x1a9: {  	s1 =	simm.s32 $0x200;
	[sflag:s0] =	ssyncset.done $0x0  }
0x1aa: {  	s2 =	simm.s32 $0x400;
	s31 =	rddreg [dreg:$0x6];
	[sflag:s0] =	ssyncadd.s32 $0xFFFF8000  }
0x1ab: {  	[hbm4b:s31+s1] =	stream.strided.scatter [tilespmem:s24], [sflag:$0x4], $0x8000, s2, s1, $0x38;
	[tilespmem:$0x19480] =	vst v63  }
0x1ac: {  	s1 =	simm.s32 $0x0  }
0x1ad: {  	s2 =	sand.u32 $0x70, s1;
	s0 =	sand.u32 $0x7E00, s1  }
0x1ae: {  	s0 =	sor.u32 s2, s0  }
0x1af: {  	v6 =	vld [tilespmem:s0+$0x1600]  }
0x1b0: {  	s3 =	simm.s32 $0x10;
	s4 =	simm.s32 $0x40;
	v7 =	vld [tilespmem:s0+$0x1480]  }
0x1b1: {  	s1 =	sand.u32 $0x70, s3;
	s2 =	sand.u32 $0x7E00, s4;
	v8 =	vld [tilespmem:s0+$0x1500]  }
0x1b2: {  	v9 =	vld [tilespmem:s0+$0x1580];
	s7 =	sor.u32 s1, s2  }
0x1b3: {  	v10 =	vld [tilespmem:s7+$0x1600]  }
0x1b4: {  	v11 =	vld [tilespmem:s7+$0x1480];
	v6 =	vmul.f32 $1.442695020e+00, v6  }
0x1b5: {  	v7 =	vmul.f32 $1.442695020e+00, v7  }
0x1b6: {  	v8 =	vmul.f32 $1.442695020e+00, v8;
	(erf) = vpow2.f32 v6  }
0x1b7: {  	v12 =	vld [tilespmem:s7+$0x1500];
	v6 =	vmul.f32 $1.442695020e+00, v9;
	(erf) = vpow2.f32 v7  }
0x1b8: {  	v14 =	vld [tilespmem:s7+$0x1580];
	v7 =	vmul.f32 $1.442695020e+00, v10;
	(erf) = vpow2.f32 v8  }
0x1b9: {  	s22 =	simm.s32 $0x20;
	s0 =	simm.s32 $0x80;
	v8 =	vmul.f32 $1.442695020e+00, v11;
	(erf) = vpow2.f32 v6  }
0x1ba: {  	s1 =	sand.u32 $0x70, s22;
	s31 =	sand.u32 $0x7E00, s0;
	(erf) = vpow2.f32 v7  }
0x1bb: {  	s1 =	sor.u32 s1, s31;
	(erf) = vpow2.f32 v8  }
0x1bc: {  	v10 =	vld [tilespmem:s1+$0x1600]  }
0x1bd: {  	v13 =	vmul.f32 $1.442695020e+00, v12;
	v14 =	vmul.f32 $1.442695020e+00, v14;
	v9 =	vimm.f32 $0.0e+00;
	v11 =	vld [tilespmem:s1+$0x1480]  }
0x1be: {  	s2 =	simm.s32 $0x30;
	v12 =	vld [tilespmem:s1+$0x1500];
	v6 =	vimm.f32 $0.0e+00;
	v7 =	vimm.f32 $0.0e+00;
	v8 =	vimm.f32 $0.0e+00  }
.LBB2_10:
0x1bf: {  	s3 =	sand.u32 $0x70, s2;
	v15 =	vld [tilespmem:s1+$0x1580];
	s0 =	sadd.s32 $0x40, s0;
	(erf) = vpow2.f32 v13;
	p0 =	sne.s32 s2, $0x1FF0  }
.Ltmp4:
0x1c0: {  	s2 =	sadd.s32 $0x10, s2;
	s1 =	sand.u32 $0x7E00, s0;
	(erf) = vpow2.f32 v14;
	v13 =	vpop (erf);
	(pc) =	sbr.rel @p0 .LBB2_10-.Ltmp4, $4  }
0x1c1: {  	s1 =	sor.u32 s3, s1;
	v14 =	vmul.f32 $1.442695020e+00, v10;
	v6 =	vadd.f32 v13, v6;
	v13 =	vpop (erf)  }
0x1c2: {  	v10 =	vld [tilespmem:s1+$0x1600];
	v16 =	vmul.f32 $1.442695020e+00, v11;
	v9 =	vadd.f32 v13, v9;
	v17 =	vpop (erf)  }
0x1c3: {  	v11 =	vld [tilespmem:s1+$0x1480];
	v13 =	vmul.f32 $1.442695020e+00, v12;
	(erf) = vpow2.f32 v14;
	v8 =	vadd.f32 v17, v8;
	v17 =	vpop (erf)  }
0x1c4: {  	v12 =	vld [tilespmem:s1+$0x1500];
	v14 =	vmul.f32 $1.442695020e+00, v15;
	(erf) = vpow2.f32 v16;
	v7 =	vadd.f32 v17, v7  }
0x1c5: {  	v15 =	vld [tilespmem:s1+$0x1580];
	_ =	sdelay $0x1  }
0x1c6: {  	v10 =	vmul.f32 $1.442695020e+00, v10  }
0x1c7: {  	(erf) = vpow2.f32 v13;
	v11 =	vmul.f32 $1.442695020e+00, v11  }
0x1c8: {  	(erf) = vpow2.f32 v14;
	v12 =	vmul.f32 $1.442695020e+00, v12  }
0x1c9: {  	(erf) = vpow2.f32 v10;
	v13 =	vmul.f32 $1.442695020e+00, v15  }
0x1ca: {  	v10 =	vpop (erf);
	(erf) = vpow2.f32 v11  }
0x1cb: {  	v11 =	vpop (erf);
	(erf) = vpow2.f32 v12  }
0x1cc: {  	v12 =	vpop (erf);
	(erf) = vpow2.f32 v13  }
0x1cd: {  	v13 =	vpop (erf)  }
0x1ce: {  	v14 =	vpop (erf)  }
0x1cf: {  	v6 =	vadd.f32 v10, v6;
	v15 =	vpop (erf)  }
0x1d0: {  	v9 =	vadd.f32 v11, v9;
	v11 =	vpop (erf)  }
0x1d1: {  	v8 =	vadd.f32 v12, v8;
	v6 =	vadd.f32 v14, v6;
	v12 =	vpop (erf)  }
0x1d2: {  	v7 =	vadd.f32 v13, v7;
	v9 =	vadd.f32 v15, v9;
	v13 =	vpop (erf)  }
0x1d3: {  	v8 =	vadd.f32 v11, v8;
	v10 =	vpop (erf);
	v6 =	vadd.f32 v13, v6  }
0x1d4: {  	v7 =	vadd.f32 v12, v7;
	v9 =	vadd.f32 v10, v9;
	v10 =	vpop (erf)  }
0x1d5: {  	v8 =	vadd.f32 v10, v8;
	v10 =	vpop (erf);
	[tilespmem:$0x1200] =	vst v6  }
0x1d6: {  	v7 =	vadd.f32 v10, v7;
	[tilespmem:$0x1080] =	vst v9  }
0x1d7: {  	[tilespmem:$0x1100] =	vst v8  }
0x1d8: {  	[tilespmem:$0x1180] =	vst v7  }
0x1d9: {  	v6 =	vld.idx.msk [tilespmem:v4+s21+$0x0], $0xf;
	_ =	sdelay $0x4  }
0x1da: {  	v7 =	vshll.u32 v6, $0x2  }
0x1db: {  	v6 =	vand.u32 $0x7F, v6;
	v7 =	vand.u32 $0xFFFFFE00, v7  }
0x1dc: {  	v6 =	vor.u32 v6, v7  }
0x1dd: {  	v6 =	vadd.s32 v3, v6;
	_ =	sdelay $0x4  }
0x1de: {  	v6 =	vld.idx.msk [tilespmem:v6+s24+$0x0], $0xf;
	_ =	sdelay $0x4  }
0x1df: {  	v6 =	vnsel vm1, $0x0, v6  }
0x1e0: {  	s0 =	simm.s32 $0x0;
	s31 =	rddreg [dreg:$0x7];
	s2 =	simm.s32 $0x1080;
	[tilespmem:$0x1280] =	vst v6  }
0x1e1: {  	[hbm4b:s31+s0] =	stream.linear.scatter [tilespmem:s2], [sflag:$0x7], $0x280, $0x38;
	[tilespmem:$0x19480] =	vst v63  }
0x1e2: {  	_ =	swait.ge [sflag:s30], $0x280  }
0x1e3: {  	[sflag:s30] =	ssyncset.done $0x0  }
0x1e4: {  	s3 =	simm.s32 $0x2;
	s7 =	simm.s32 $0x9480;
	[sflag:s30] =	ssyncadd.s32 $0xFFFFFD80  }
0x1e5: {  	s31 =	sand.u32 $0x70, s0;
	s0 =	sand.u32 $0x7E00, s0;
	_ =	swait.ge [sflag:s3], $0x8000  }
0x1e6: {  	s22 =	simm.s32 $0x200;
	s0 =	sor.u32 s31, s0;
	[sflag:s3] =	ssyncset.done $0x0  }
0x1e7: {  	s4 =	rddreg [dreg:$0x8];
	[sflag:s3] =	ssyncadd.s32 $0xFFFF8000;
	s3 =	simm.s32 $0x400  }
0x1e8: {  	[hbm4b:s4+s22] =	stream.strided.scatter [tilespmem:s7], [sflag:$0x5], $0x8000, s3, s22, $0x38;
	[tilespmem:$0x19480] =	vst v63  }
0x1e9: {  	v6 =	vld [tilespmem:s0+$0x9600]  }
0x1ea: {  	s2 =	simm.s32 $0x10;
	s3 =	simm.s32 $0x40;
	v7 =	vld [tilespmem:s0+$0x9480]  }
0x1eb: {  	s1 =	sand.u32 $0x70, s2;
	v8 =	vld [tilespmem:s0+$0x9500];
	s2 =	sand.u32 $0x7E00, s3  }
0x1ec: {  	v9 =	vld [tilespmem:s0+$0x9580];
	s4 =	sor.u32 s1, s2  }
0x1ed: {  	v10 =	vld [tilespmem:s4+$0x9600]  }
0x1ee: {  	v11 =	vld [tilespmem:s4+$0x9480];
	v6 =	vmul.f32 $1.442695020e+00, v6  }
0x1ef: {  	v7 =	vmul.f32 $1.442695020e+00, v7  }
0x1f0: {  	v8 =	vmul.f32 $1.442695020e+00, v8;
	(erf) = vpow2.f32 v6  }
0x1f1: {  	v12 =	vld [tilespmem:s4+$0x9500];
	v6 =	vmul.f32 $1.442695020e+00, v9;
	(erf) = vpow2.f32 v7  }
0x1f2: {  	v14 =	vld [tilespmem:s4+$0x9580];
	v7 =	vmul.f32 $1.442695020e+00, v10;
	(erf) = vpow2.f32 v8  }
0x1f3: {  	s22 =	simm.s32 $0x20;
	s0 =	simm.s32 $0x80;
	v8 =	vmul.f32 $1.442695020e+00, v11;
	(erf) = vpow2.f32 v6  }
0x1f4: {  	s1 =	sand.u32 $0x70, s22;
	s31 =	sand.u32 $0x7E00, s0;
	(erf) = vpow2.f32 v7  }
0x1f5: {  	s1 =	sor.u32 s1, s31;
	(erf) = vpow2.f32 v8  }
0x1f6: {  	v10 =	vld [tilespmem:s1+$0x9600]  }
0x1f7: {  	v13 =	vmul.f32 $1.442695020e+00, v12;
	v14 =	vmul.f32 $1.442695020e+00, v14;
	v9 =	vimm.f32 $0.0e+00;
	v11 =	vld [tilespmem:s1+$0x9480]  }
0x1f8: {  	s2 =	simm.s32 $0x30;
	v12 =	vld [tilespmem:s1+$0x9500];
	v6 =	vimm.f32 $0.0e+00;
	v7 =	vimm.f32 $0.0e+00;
	v8 =	vimm.f32 $0.0e+00  }
.LBB2_12:
0x1f9: {  	s3 =	sand.u32 $0x70, s2;
	v15 =	vld [tilespmem:s1+$0x9580];
	s0 =	sadd.s32 $0x40, s0;
	(erf) = vpow2.f32 v13;
	p0 =	sne.s32 s2, $0x1FF0  }
.Ltmp5:
0x1fa: {  	s2 =	sadd.s32 $0x10, s2;
	s1 =	sand.u32 $0x7E00, s0;
	(erf) = vpow2.f32 v14;
	v13 =	vpop (erf);
	(pc) =	sbr.rel @p0 .LBB2_12-.Ltmp5, $4  }
0x1fb: {  	s1 =	sor.u32 s3, s1;
	v14 =	vmul.f32 $1.442695020e+00, v10;
	v6 =	vadd.f32 v13, v6;
	v13 =	vpop (erf)  }
0x1fc: {  	v10 =	vld [tilespmem:s1+$0x9600];
	v16 =	vmul.f32 $1.442695020e+00, v11;
	v9 =	vadd.f32 v13, v9;
	v17 =	vpop (erf)  }
0x1fd: {  	v11 =	vld [tilespmem:s1+$0x9480];
	v13 =	vmul.f32 $1.442695020e+00, v12;
	(erf) = vpow2.f32 v14;
	v8 =	vadd.f32 v17, v8;
	v17 =	vpop (erf)  }
0x1fe: {  	v12 =	vld [tilespmem:s1+$0x9500];
	v14 =	vmul.f32 $1.442695020e+00, v15;
	(erf) = vpow2.f32 v16;
	v7 =	vadd.f32 v17, v7  }
0x1ff: {  	v15 =	vld [tilespmem:s1+$0x9580];
	_ =	sdelay $0x1  }
0x200: {  	(erf) = vpow2.f32 v13;
	v10 =	vmul.f32 $1.442695020e+00, v10  }
0x201: {  	(erf) = vpow2.f32 v14;
	v11 =	vmul.f32 $1.442695020e+00, v11  }
0x202: {  	v12 =	vmul.f32 $1.442695020e+00, v12;
	(erf) = vpow2.f32 v10  }
0x203: {  	v51 =	vpop (erf);
	v52 =	vmul.f32 $1.442695020e+00, v15;
	(erf) = vpow2.f32 v11  }
0x204: {  	v53 =	vpop (erf);
	(erf) = vpow2.f32 v12  }
0x205: {  	v54 =	vpop (erf);
	(erf) = vpow2.f32 v52  }
0x206: {  	v55 =	vpop (erf)  }
0x207: {  	v56 =	vpop (erf)  }
0x208: {  	v6 =	vadd.f32 v51, v6;
	v57 =	vpop (erf)  }
0x209: {  	v9 =	vadd.f32 v53, v9;
	v58 =	vpop (erf)  }
0x20a: {  	v8 =	vadd.f32 v54, v8;
	v6 =	vadd.f32 v56, v6;
	v59 =	vpop (erf)  }
0x20b: {  	v7 =	vadd.f32 v55, v7;
	v9 =	vadd.f32 v57, v9;
	v60 =	vpop (erf)  }
0x20c: {  	v8 =	vadd.f32 v58, v8;
	v61 =	vpop (erf);
	v6 =	vadd.f32 v60, v6  }
0x20d: {  	v7 =	vadd.f32 v59, v7;
	v9 =	vadd.f32 v61, v9;
	v62 =	vpop (erf)  }
0x20e: {  	v8 =	vadd.f32 v62, v8;
	v63 =	vpop (erf);
	[tilespmem:$0x1200] =	vst v6  }
0x20f: {  	v7 =	vadd.f32 v63, v7;
	[tilespmem:$0x1080] =	vst v9  }
0x210: {  	[tilespmem:$0x1100] =	vst v8  }
0x211: {  	[tilespmem:$0x1180] =	vst v7  }
0x212: {  	v6 =	vld.idx.msk [tilespmem:v5+s21+$0x0], $0xf;
	_ =	sdelay $0x4  }
0x213: {  	v7 =	vshll.u32 v6, $0x2  }
0x214: {  	v6 =	vand.u32 $0x7F, v6;
	v7 =	vand.u32 $0xFFFFFE00, v7  }
0x215: {  	v6 =	vor.u32 v6, v7  }
0x216: {  	v6 =	vadd.s32 v3, v6;
	_ =	sdelay $0x4  }
0x217: {  	v6 =	vld.idx.msk [tilespmem:v6+s7+$0x0], $0xf;
	_ =	sdelay $0x4  }
0x218: {  	v6 =	vnsel vm1, $0x0, v6  }
0x219: {  	s0 =	rddreg [dreg:$0x9];
	s2 =	simm.s32 $0x1080;
	[tilespmem:$0x1280] =	vst v6  }
0x21a: {  	[hbm4b:s0+s8] =	stream.linear.scatter [tilespmem:s2], [sflag:$0x7], $0x280, $0x38;
	[tilespmem:$0x19480] =	vst v63  }
0x21b: {  	_ =	swait.ge [sflag:s30], $0x280  }
0x21c: {  	[sflag:s30] =	ssyncset.done $0x0  }
0x21d: {  	s3 =	simm.s32 $0x6;
	[sflag:s30] =	ssyncadd.s32 $0xFFFFFD80  }
0x21e: {  	_ =	swait.ge [sflag:s3], $0x8000  }
0x21f: {  	[sflag:s3] =	ssyncset.done $0x0  }
0x220: {  	s4 =	simm.s32 $0x4;
	[sflag:s3] =	ssyncadd.s32 $0xFFFF8000  }
0x221: {  	_ =	swait.ge [sflag:s4], $0x8000  }
0x222: {  	[sflag:s4] =	ssyncset.done $0x0  }
0x223: {  	s22 =	simm.s32 $0x5;
	[sflag:s4] =	ssyncadd.s32 $0xFFFF8000  }
0x224: {  	_ =	swait.ge [sflag:s22], $0x8000  }
0x225: {  	s2 =	rddreg [dreg:$0xb]  }
0x226: {  	s31 =	rddreg [dreg:$0xa];
	s2 =	sadd.s32 $0x1, s2  }
0x227: {  	p0 =	sne.s32 s2, s31  }
.Ltmp6:
0x228: {  	_ = 	snop;
	(pc) =	sbr.rel @p0 .LBB2_1-.Ltmp6, $3  }
0x229: {  	_ =	sdelay $0x1  }
0x22a: {  	[sflag:s22] =	ssyncset.done $0x0  }
0x22b: {  	[sflag:s22] =	ssyncadd.s32 $0xFFFF8000  }
0x22c: {  	_ =	sfence.sel $0x180000  }
0x22d: {  	[bflag:$0x0] =	sbarrier.arrive $0xFFFF  }
0x22e: {  	_ =	strace $0x90000047  }
0x22f: {  	s0 =	stileid.u32;
	[bflag:$0x2] =	sbarrier.arrive $0xFFFF  }
0x230: {  	p0 =	sne.s32 s0, $0x0;
	s0 =	rddreg [dreg:$0x3]  }
0x231: {  	s0 =	sadd.s32 @!p0 $0x100000, s0  }
0x232: {  	[sflag:s0] =	ssyncadd.tile.s32 @!p0 $0x1;
	_ =	shalt  }
.Lfunc_end2:
_tile_overlayer_lowered:
.L_overlay_start_2:
0x233: {  	(tag) =	ssettag $0x2  }
0x234: {  	s0 =	rddreg [dreg:$0x0];
	s2 =	stileid.u32  }
0x235: {  	s1 =	rddreg [dreg:$0x1];
	p0 =	sne.s32 s2, $0x0  }
0x236: {  	s3 =	rddreg [dreg:$0x2];
	[bflag:$0x3] =	sbarrier.arrive $0xFFFF;
	s2 =	simm.s32 @!p0 $0x1C07  }
0x237: {  	[timem:s3], [sflag:s2] =	dma.local @!p0 [hbm:s0], s1  }
0x238: {  	s0 =	simm.s32 @!p0 $0x7  }
0x239: {  	_ =	swait.ge @!p0 [sflag:s0], s1  }
0x23a: {  	s1 =	ssub.s32 @!p0 $0x0, s1;
	[sflag:s0] =	ssyncset.done @!p0 $0x0  }
0x23b: {  	[sflag:s0] =	ssyncadd.s32 @!p0 s1  }
0x23c: {  	[bflag:$0x3] =	sbarrier.arrive $0xFFFF  }
0x23d: {  	_ =	shalt  }

</sc_bundles>
